<compile_context>
chip_gen: v7x
topology: tpu7x:2x2x1
jax: 0.10.2.dev20260603
libtpu: 0.0.44.dev20260713+nightly
codegen_flags: <defaults>
</compile_context>

<pallas_src>
import functools

import jax
import jax.numpy as jnp
import numpy as np
from jax import lax
from jax.experimental import pallas as pl
from jax.experimental.pallas import tpu as pltpu
from jax.experimental.pallas import tpu_sc as plsc

_N = 10000
_E = 640000
_DH = 64
_NC = 2
_NS = 16
_K = 128
_CHP = 157
_CH = 2 * _CHP
_EPT = _CH * _K
_NP = 10112
_RZ = _NP // _NS


def _sc_body(tables, src_p, dst_p, zeros, out, src_v, dst_v, rows_a, rows_b,
             msg, sem_ga, sem_gb, sem_sa, sem_sb):
    c = lax.axis_index("c")
    s = lax.axis_index("s")
    tbl = tables.at[c]
    pltpu.sync_copy(zeros, msg.at[pl.ds(s * _RZ, _RZ)])
    plsc.subcore_barrier()

    def pair(j, carry):
        j0 = 2 * j
        ga = pltpu.async_copy(tbl.at[src_v.at[j0]], rows_a, sem_ga)
        gb = pltpu.async_copy(tbl.at[src_v.at[j0 + 1]], rows_b, sem_gb)
        ga.wait()
        sa = pltpu.async_copy(rows_a, msg.at[dst_v.at[j0]], sem_sa, add=True)
        gb.wait()
        sb = pltpu.async_copy(rows_b, msg.at[dst_v.at[j0 + 1]], sem_sb, add=True)
        sa.wait()
        sb.wait()
        return carry

    def phase(p, carry):
        pltpu.sync_copy(src_p.at[s, pl.ds(p * _CHP, _CHP)], src_v)
        pltpu.sync_copy(dst_p.at[s, pl.ds(p * _CHP, _CHP)], dst_v)
        lax.fori_loop(0, _CHP // 2, pair, 0)
        gt = pltpu.async_copy(tbl.at[src_v.at[_CHP - 1]], rows_a, sem_ga)
        gt.wait()
        st = pltpu.async_copy(rows_a, msg.at[dst_v.at[_CHP - 1]], sem_sa,
                              add=True)
        st.wait()
        return carry

    lax.fori_loop(0, 2, phase, 0)
    plsc.subcore_barrier()
    pltpu.sync_copy(msg.at[pl.ds(s * _RZ, _RZ)], out.at[c, pl.ds(s * _RZ, _RZ)])


def _sc_segment_sum(tables, src_p, dst_p, zeros):
    mesh = plsc.VectorSubcoreMesh(core_axis_name="c", subcore_axis_name="s",
                                  num_cores=_NC, num_subcores=_NS)
    fn = pl.kernel(
        _sc_body,
        out_type=jax.ShapeDtypeStruct((_NC, _NP, _DH), jnp.float32),
        mesh=mesh,
        scratch_types=[
            pltpu.VMEM((_CHP, _K), jnp.int32),
            pltpu.VMEM((_CHP, _K), jnp.int32),
            pltpu.VMEM((_K, _DH), jnp.float32),
            pltpu.VMEM((_K, _DH), jnp.float32),
            pltpu.VMEM_SHARED((_NP, _DH), jnp.float32),
            pltpu.SemaphoreType.DMA,
            pltpu.SemaphoreType.DMA,
            pltpu.SemaphoreType.DMA,
            pltpu.SemaphoreType.DMA,
        ],
        compiler_params=pltpu.CompilerParams(use_tc_tiling_on_sc=False),
    )
    return fn(tables, src_p, dst_p, zeros)


_B = 1000


def _tc_body(parts_ref, xs_ref, xv_ref, fr_ref, w1_ref, w2_ref, us_ref, uv_ref):
    ms = parts_ref[0]
    mv = parts_ref[1][:, :48]
    xs = xs_ref[...]
    xv = xv_ref[...]
    fr = fr_ref[...]

    def f(i, j):
        return fr[:, 3 * i + j:3 * i + j + 1]

    catv = [jnp.concatenate([mv[:, 16 * j:16 * j + 16],
                             xv[:, 16 * j:16 * j + 16]], axis=1)
            for j in range(3)]
    vloc = [f(i, 0) * catv[0] + f(i, 1) * catv[1] + f(i, 2) * catv[2]
            for i in range(3)]
    feat1 = jnp.concatenate([ms, xs] + vloc, axis=1)
    o1 = jnp.dot(feat1, w1_ref[...], preferred_element_type=jnp.float32)
    s1 = o1[:, :64]
    m_s = s1 * jax.nn.sigmoid(s1)
    vc = [o1[:, 64 + 16 * i:80 + 16 * i] for i in range(3)]
    mv2 = [f(0, j) * vc[0] + f(1, j) * vc[1] + f(2, j) * vc[2]
           for j in range(3)]
    vloc2 = [f(i, 0) * mv2[0] + f(i, 1) * mv2[1] + f(i, 2) * mv2[2]
             for i in range(3)]
    feat2 = jnp.concatenate([m_s] + vloc2, axis=1)
    o2 = jnp.dot(feat2, w2_ref[...], preferred_element_type=jnp.float32)
    s2 = o2[:, :64]
    us_ref[...] = s2 * jax.nn.sigmoid(s2)
    uvc = [o2[:, 64 + 16 * i:80 + 16 * i] for i in range(3)]
    uv_ref[...] = jnp.concatenate(
        [f(0, j) * uvc[0] + f(1, j) * uvc[1] + f(2, j) * uvc[2]
         for j in range(3)], axis=1)


def _tc_tpp(parts, x_s, xv_pl, fr9, w1, w2):
    grid = (_N // _B,)
    return pl.pallas_call(
        _tc_body,
        grid=grid,
        in_specs=[
            pl.BlockSpec((_NC, _B, _DH), lambda i: (0, i, 0)),
            pl.BlockSpec((_B, 64), lambda i: (i, 0)),
            pl.BlockSpec((_B, 48), lambda i: (i, 0)),
            pl.BlockSpec((_B, 9), lambda i: (i, 0)),
            pl.BlockSpec((224, 112), lambda i: (0, 0)),
            pl.BlockSpec((112, 112), lambda i: (0, 0)),
        ],
        out_specs=[
            pl.BlockSpec((_B, 64), lambda i: (i, 0)),
            pl.BlockSpec((_B, 48), lambda i: (i, 0)),
        ],
        out_shape=[
            jax.ShapeDtypeStruct((_N, 64), jnp.float32),
            jax.ShapeDtypeStruct((_N, 48), jnp.float32),
        ],
    )(parts, x_s, xv_pl, fr9, w1, w2)


_CPERM_V = np.arange(48).reshape(16, 3).T.reshape(-1)
_RPERM1 = np.concatenate([np.arange(128),
                          128 + np.arange(96).reshape(32, 3).T.reshape(-1)])
_RPERM2 = np.concatenate([np.arange(64),
                          64 + np.arange(48).reshape(16, 3).T.reshape(-1)])


def kernel(x_s, x_v, edge_index, frames, W_intra_s, W_intra_v, W_inter_s, W_inter_v):
    xv_pl = x_v.transpose(0, 2, 1).reshape(_N, 48)
    tables = jnp.stack(
        [x_s, jnp.concatenate([xv_pl, jnp.zeros((_N, 16), jnp.float32)],
                              axis=1)])
    src = edge_index[1].astype(jnp.int32)
    dst = edge_index[0].astype(jnp.int32)
    pad = _EPT - _E // _NS
    src_p = jnp.concatenate(
        [src.reshape(_NS, _E // _NS),
         jnp.zeros((_NS, pad), jnp.int32)], axis=1).reshape(_NS, _CH, _K)
    dst_p = jnp.concatenate(
        [dst.reshape(_NS, _E // _NS),
         jnp.full((_NS, pad), _N, jnp.int32)], axis=1).reshape(_NS, _CH, _K)
    zeros = jnp.zeros((_RZ, _DH), jnp.float32)

    parts = _sc_segment_sum(tables, src_p, dst_p, zeros)

    w1 = jnp.concatenate([W_intra_s, W_intra_v[:, _CPERM_V]], axis=1)[_RPERM1]
    w2 = jnp.concatenate([W_inter_s, W_inter_v[:, _CPERM_V]], axis=1)[_RPERM2]

    fr9 = frames.reshape(_N, 9)

    u_s, uv_pl = _tc_tpp(parts, x_s, xv_pl, fr9, w1, w2)
    u_v = uv_pl.reshape(_N, 3, 16).transpose(0, 2, 1)
    return u_s, u_v

# --- scband reference (transcript-rebuilt; emitter-appended) ---
"""Pipeline reference for scband-geometric-message-passing-9268539425209 (READ-ONLY COPY).

The authoritative reference and input builder live on the scoring server;
editing this copy changes nothing except your own understanding.
"""

import jax, jax.numpy as jnp
import numpy as np

N = 10000
E = 640000
DS_IN = 64
DV_IN = 16
DS_OUT = 64
DV_OUT = 16


def setup_inputs(seed: int = 0) -> dict:
    key = jax.random.key(seed)
    ks = jax.random.split(key, 8)
    x_s = jax.random.normal(ks[0], (N, DS_IN), dtype=jnp.float32)
    x_v = jax.random.normal(ks[1], (N, DV_IN, 3), dtype=jnp.float32)
    edge_index = jax.random.randint(ks[2], (2, E), 0, N)
    frames = jax.random.normal(ks[3], (N, 3, 3), dtype=jnp.float32)
    # TPP W_intra '0->0': input dims = (in_s + out_s, in_v + out_v) because msg is
    # concatenated with X_dict[to_rank]; scalarized feature width = 128 + 32*3 = 224
    in_feat_intra = (DS_IN + DS_OUT) + (DV_IN + DV_OUT) * 3
    W_intra_s = jax.random.normal(ks[4], (in_feat_intra, DS_OUT), dtype=jnp.float32) * 0.05
    W_intra_v = jax.random.normal(ks[5], (in_feat_intra, DV_OUT * 3), dtype=jnp.float32) * 0.05
    # TPP W_inter '0': msg_num_to_rank['0'] == 1 -> in dims = (64, 16); width = 64 + 48 = 112
    in_feat_inter = DS_OUT + DV_OUT * 3
    W_inter_s = jax.random.normal(ks[6], (in_feat_inter, DS_OUT), dtype=jnp.float32) * 0.05
    W_inter_v = jax.random.normal(ks[7], (in_feat_inter, DV_OUT * 3), dtype=jnp.float32) * 0.05
    return {
        'x_s': x_s, 'x_v': x_v, 'edge_index': edge_index, 'frames': frames,
        'W_intra_s': W_intra_s, 'W_intra_v': W_intra_v,
        'W_inter_s': W_inter_s, 'W_inter_v': W_inter_v,
    }


def _tpp(s, v, frames, Ws, Wv, dv_out):
    # Frame-based tensor product perceptron: scalarize vectors into the local
    # frame, mix with scalars through a linear map, SiLU on scalar channel,
    # re-vectorize the vector channel through the frame (equivariant update).
    n = s.shape[0]
    v_loc = jnp.einsum('nij,nvj->nvi', frames, v).reshape(n, -1)
    feat = jnp.concatenate([s, v_loc], axis=-1)
    s_out = jax.nn.silu(feat @ Ws)
    v_coef = (feat @ Wv).reshape(n, dv_out, 3)
    v_out = jnp.einsum('nij,nvi->nvj', frames, v_coef)
    return s_out, v_out


def reference(x_s, x_v, edge_index, frames, W_intra_s, W_intra_v, W_inter_s, W_inter_v):
    dst = edge_index[0]
    src = edge_index[1]
    # sv_aggregate(X_dict['0'], N0_0, 'sum'): gather source features, scatter-add to targets
    msg_s = jax.ops.segment_sum(jnp.take(x_s, src, axis=0), dst, num_segments=N)
    msg_v = jax.ops.segment_sum(jnp.take(x_v, src, axis=0), dst, num_segments=N)
    # msg = msg.concat([X_dict[to_rank]])  (to_rank == from_rank == '0')
    cat_s = jnp.concatenate([msg_s, x_s], axis=-1)
    cat_v = jnp.concatenate([msg_v, x_v], axis=1)
    # W_intra['0->0'] with frame_dict['0'] (frame_selection='target' -> to_rank frames)
    m_s, m_v = _tpp(cat_s, cat_v, frames, W_intra_s, W_intra_v, DV_OUT)
    # single message to rank '0' -> no inter-message concat; W_inter['0']
    u_s, u_v = _tpp(m_s, m_v, frames, W_inter_s, W_inter_v, DV_OUT)
    return u_s, u_v


if False:  # reference __main__ guard neutralized (emitter)
    out = reference(**setup_inputs())
    print(out[0].shape, out[1].shape)

if __name__ == "__main__":
    import jax
    _d = setup_inputs()
    print(jax.jit(kernel)(*tuple(_d.values())))

</pallas_src>

<mosaic_0001>
#map = affine_map<(d0, d1) -> (0, 0, 0)>
#map1 = affine_map<(d0, d1) -> (0, 0)>
module attributes {stable_mosaic.version = 14 : i64} {
  func.func @_sc_body(%arg0: i32, %arg1: i32, %arg2: memref<2x10000x64xf32, #tpu.memory_space<hbm>>, %arg3: memref<16x314x128xi32, #tpu.memory_space<hbm>>, %arg4: memref<16x314x128xi32, #tpu.memory_space<hbm>>, %arg5: memref<632x64xf32, #tpu.memory_space<hbm>>, %arg6: memref<2x10112x64xf32, #tpu.memory_space<hbm>>, %arg7: memref<157x128xi32, #tpu.memory_space<vmem>>, %arg8: memref<157x128xi32, #tpu.memory_space<vmem>>, %arg9: memref<128x64xf32, #tpu.memory_space<vmem>>, %arg10: memref<128x64xf32, #tpu.memory_space<vmem>>, %arg11: memref<10112x64xf32, #tpu.memory_space<vmem_shared>>, %arg12: memref<!tpu.dma_semaphore, #tpu.memory_space<semaphore_mem>>, %arg13: memref<!tpu.dma_semaphore, #tpu.memory_space<semaphore_mem>>, %arg14: memref<!tpu.dma_semaphore, #tpu.memory_space<semaphore_mem>>, %arg15: memref<!tpu.dma_semaphore, #tpu.memory_space<semaphore_mem>>) attributes {dimension_semantics = [#tpu.dimension_semantics<core_parallel>, #tpu.dimension_semantics<subcore_parallel>], iteration_bounds = array<i64: 2, 16>, scalar_prefetch = 0 : i64, scratch_operands = 9 : i64, tpu.core_type = #tpu.core_type<sc_vector_subcore>, window_params = [{transform_indices = #map}, {transform_indices = #map}, {transform_indices = #map}, {transform_indices = #map1}, {transform_indices = #map}]} {
    %mul3A = arith.constant 632 : i32
    %mul3A_0 = arith.muli %arg1, %mul3A : i32
    "tpu.region"() ({
      %run_scoped3A = tpu.sem_alloc : memref<!tpu.dma_semaphore, #tpu.memory_space<semaphore_mem>>
      %dma_start3A = arith.constant 0 : i32
      %dma_start3A_11 = tpu.memref_slice %arg11[%mul3A_0, %dma_start3A] : memref<10112x64xf32, #tpu.memory_space<vmem_shared>> -> memref<632x64xf32, #tpu.memory_space<vmem_shared>>
      tpu.enqueue_dma source(%arg5 : memref<632x64xf32, #tpu.memory_space<hbm>>) target(%dma_start3A_11 : memref<632x64xf32, #tpu.memory_space<vmem_shared>>) target_semaphore(%run_scoped3A : memref<!tpu.dma_semaphore, #tpu.memory_space<semaphore_mem>>)
      %dma_wait3A = arith.constant 0 : i32
      %dma_wait3A_12 = tpu.memref_slice %arg11[%mul3A_0, %dma_wait3A] : memref<10112x64xf32, #tpu.memory_space<vmem_shared>> -> memref<632x64xf32, #tpu.memory_space<vmem_shared>>
      tpu.wait_dma2 semaphore(%run_scoped3A : memref<!tpu.dma_semaphore, #tpu.memory_space<semaphore_mem>>) src(%arg5 : memref<632x64xf32, #tpu.memory_space<hbm>>) dst(%dma_wait3A_12 : memref<632x64xf32, #tpu.memory_space<vmem_shared>>)
      tpu.yield
    }) : () -> ()
    %barrier3A = arith.constant 0 : index
    tpu.barrier barrier_id(%barrier3A)
    %scan3A = arith.constant 0 : i32
    %scan3A_1 = arith.constant 0 : i32
    %scan3A_2 = arith.constant 2 : i32
    %scan3A_3 = arith.addi %scan3A_1, %scan3A_2 : i32
    %scan3A_4 = arith.constant 1 : i32
    scf.for %scan3A_11 = %scan3A_1 to %scan3A_3 step %scan3A_4  : i32 {
      %mul3A_12 = arith.constant 157 : i32
      %mul3A_13 = arith.muli %scan3A_11, %mul3A_12 : i32
      "tpu.region"() ({
        %run_scoped3A = tpu.sem_alloc : memref<!tpu.dma_semaphore, #tpu.memory_space<semaphore_mem>>
        %dma_start3A_56 = arith.constant 0 : i32
        %dma_start3A_57 = tpu.memref_slice %arg3[%arg1, %mul3A_13, %dma_start3A_56] : memref<16x314x128xi32, #tpu.memory_space<hbm>> -> memref<1x157x128xi32, #tpu.memory_space<hbm>>
        %dma_start3A_58 = tpu.memref_squeeze %dma_start3A_57 : memref<1x157x128xi32, #tpu.memory_space<hbm>> -> memref<157x128xi32, #tpu.memory_space<hbm>>
        %dma_start3A_59 = arith.constant 0 : i32
        %dma_start3A_60 = tpu.memref_slice %arg3[%arg1, %mul3A_13, %dma_start3A_59] : memref<16x314x128xi32, #tpu.memory_space<hbm>> -> memref<1x157x128xi32, #tpu.memory_space<hbm>>
        %dma_start3A_61 = tpu.memref_squeeze %dma_start3A_60 : memref<1x157x128xi32, #tpu.memory_space<hbm>> -> memref<157x128xi32, #tpu.memory_space<hbm>>
        tpu.enqueue_dma source(%dma_start3A_61 : memref<157x128xi32, #tpu.memory_space<hbm>>) target(%arg7 : memref<157x128xi32, #tpu.memory_space<vmem>>) target_semaphore(%run_scoped3A : memref<!tpu.dma_semaphore, #tpu.memory_space<semaphore_mem>>)
        %dma_wait3A_62 = arith.constant 0 : i32
        %dma_wait3A_63 = tpu.memref_slice %arg3[%arg1, %mul3A_13, %dma_wait3A_62] : memref<16x314x128xi32, #tpu.memory_space<hbm>> -> memref<1x157x128xi32, #tpu.memory_space<hbm>>
        %dma_wait3A_64 = tpu.memref_squeeze %dma_wait3A_63 : memref<1x157x128xi32, #tpu.memory_space<hbm>> -> memref<157x128xi32, #tpu.memory_space<hbm>>
        %dma_wait3A_65 = arith.constant 0 : i32
        %dma_wait3A_66 = tpu.memref_slice %arg3[%arg1, %mul3A_13, %dma_wait3A_65] : memref<16x314x128xi32, #tpu.memory_space<hbm>> -> memref<1x157x128xi32, #tpu.memory_space<hbm>>
        %dma_wait3A_67 = tpu.memref_squeeze %dma_wait3A_66 : memref<1x157x128xi32, #tpu.memory_space<hbm>> -> memref<157x128xi32, #tpu.memory_space<hbm>>
        tpu.wait_dma2 semaphore(%run_scoped3A : memref<!tpu.dma_semaphore, #tpu.memory_space<semaphore_mem>>) src(%dma_wait3A_67 : memref<157x128xi32, #tpu.memory_space<hbm>>) dst(%arg7 : memref<157x128xi32, #tpu.memory_space<vmem>>)
        tpu.yield
      }) : () -> ()
      %mul3A_14 = arith.constant 157 : i32
      %mul3A_15 = arith.muli %scan3A_11, %mul3A_14 : i32
      "tpu.region"() ({
        %run_scoped3A = tpu.sem_alloc : memref<!tpu.dma_semaphore, #tpu.memory_space<semaphore_mem>>
        %dma_start3A_56 = arith.constant 0 : i32
        %dma_start3A_57 = tpu.memref_slice %arg4[%arg1, %mul3A_15, %dma_start3A_56] : memref<16x314x128xi32, #tpu.memory_space<hbm>> -> memref<1x157x128xi32, #tpu.memory_space<hbm>>
        %dma_start3A_58 = tpu.memref_squeeze %dma_start3A_57 : memref<1x157x128xi32, #tpu.memory_space<hbm>> -> memref<157x128xi32, #tpu.memory_space<hbm>>
        %dma_start3A_59 = arith.constant 0 : i32
        %dma_start3A_60 = tpu.memref_slice %arg4[%arg1, %mul3A_15, %dma_start3A_59] : memref<16x314x128xi32, #tpu.memory_space<hbm>> -> memref<1x157x128xi32, #tpu.memory_space<hbm>>
        %dma_start3A_61 = tpu.memref_squeeze %dma_start3A_60 : memref<1x157x128xi32, #tpu.memory_space<hbm>> -> memref<157x128xi32, #tpu.memory_space<hbm>>
        tpu.enqueue_dma source(%dma_start3A_61 : memref<157x128xi32, #tpu.memory_space<hbm>>) target(%arg8 : memref<157x128xi32, #tpu.memory_space<vmem>>) target_semaphore(%run_scoped3A : memref<!tpu.dma_semaphore, #tpu.memory_space<semaphore_mem>>)
        %dma_wait3A_62 = arith.constant 0 : i32
        %dma_wait3A_63 = tpu.memref_slice %arg4[%arg1, %mul3A_15, %dma_wait3A_62] : memref<16x314x128xi32, #tpu.memory_space<hbm>> -> memref<1x157x128xi32, #tpu.memory_space<hbm>>
        %dma_wait3A_64 = tpu.memref_squeeze %dma_wait3A_63 : memref<1x157x128xi32, #tpu.memory_space<hbm>> -> memref<157x128xi32, #tpu.memory_space<hbm>>
        %dma_wait3A_65 = arith.constant 0 : i32
        %dma_wait3A_66 = tpu.memref_slice %arg4[%arg1, %mul3A_15, %dma_wait3A_65] : memref<16x314x128xi32, #tpu.memory_space<hbm>> -> memref<1x157x128xi32, #tpu.memory_space<hbm>>
        %dma_wait3A_67 = tpu.memref_squeeze %dma_wait3A_66 : memref<1x157x128xi32, #tpu.memory_space<hbm>> -> memref<157x128xi32, #tpu.memory_space<hbm>>
        tpu.wait_dma2 semaphore(%run_scoped3A : memref<!tpu.dma_semaphore, #tpu.memory_space<semaphore_mem>>) src(%dma_wait3A_67 : memref<157x128xi32, #tpu.memory_space<hbm>>) dst(%arg8 : memref<157x128xi32, #tpu.memory_space<vmem>>)
        tpu.yield
      }) : () -> ()
      %scan3A_16 = arith.constant 0 : i32
      %scan3A_17 = arith.constant 0 : i32
      %scan3A_18 = arith.constant 78 : i32
      %scan3A_19 = arith.addi %scan3A_17, %scan3A_18 : i32
      %scan3A_20 = arith.constant 1 : i32
      scf.for %scan3A_56 = %scan3A_17 to %scan3A_19 step %scan3A_20  : i32 {
        %mul3A_57 = arith.constant 2 : i32
        %mul3A_58 = arith.muli %mul3A_57, %scan3A_56 : i32
        %dma_start3A_59 = arith.constant 0 : i32
        %dma_start3A_60 = tpu.memref_slice %arg7[%mul3A_58, %dma_start3A_59] : memref<157x128xi32, #tpu.memory_space<vmem>> -> memref<1x128xi32, #tpu.memory_space<vmem>>
        %dma_start3A_61 = tpu.memref_squeeze %dma_start3A_60 : memref<1x128xi32, #tpu.memory_space<vmem>> -> memref<128xi32, #tpu.memory_space<vmem>>
        %dma_start3A_62 = arith.constant 0 : i32
        %dma_start3A_63 = arith.constant 0 : i32
        %dma_start3A_64 = tpu.memref_slice %arg2[%arg0, %dma_start3A_62, %dma_start3A_63] : memref<2x10000x64xf32, #tpu.memory_space<hbm>> -> memref<1x10000x64xf32, #tpu.memory_space<hbm>>
        %dma_start3A_65 = tpu.memref_squeeze %dma_start3A_64 : memref<1x10000x64xf32, #tpu.memory_space<hbm>> -> memref<10000x64xf32, #tpu.memory_space<hbm>>
        %dma_start3A_66 = arith.constant 0 : i32
        %dma_start3A_67 = arith.constant 0 : i32
        %dma_start3A_68 = tpu.memref_slice %dma_start3A_65[%dma_start3A_66, %dma_start3A_67] : memref<10000x64xf32, #tpu.memory_space<hbm>> -> memref<10000x64xf32, #tpu.memory_space<hbm>>
        tpu.enqueue_indirect_dma source(%dma_start3A_68 : memref<10000x64xf32, #tpu.memory_space<hbm>>) target(%arg9 : memref<128x64xf32, #tpu.memory_space<vmem>>) offsets(%dma_start3A_61 : memref<128xi32, #tpu.memory_space<vmem>>) semaphore(%arg12 : memref<!tpu.dma_semaphore, #tpu.memory_space<semaphore_mem>>)
        %add3A = arith.constant 1 : i32
        %add3A_69 = arith.addi %mul3A_58, %add3A : i32
        %dma_start3A_70 = arith.constant 0 : i32
        %dma_start3A_71 = tpu.memref_slice %arg7[%add3A_69, %dma_start3A_70] : memref<157x128xi32, #tpu.memory_space<vmem>> -> memref<1x128xi32, #tpu.memory_space<vmem>>
        %dma_start3A_72 = tpu.memref_squeeze %dma_start3A_71 : memref<1x128xi32, #tpu.memory_space<vmem>> -> memref<128xi32, #tpu.memory_space<vmem>>
        %dma_start3A_73 = arith.constant 0 : i32
        %dma_start3A_74 = arith.constant 0 : i32
        %dma_start3A_75 = tpu.memref_slice %arg2[%arg0, %dma_start3A_73, %dma_start3A_74] : memref<2x10000x64xf32, #tpu.memory_space<hbm>> -> memref<1x10000x64xf32, #tpu.memory_space<hbm>>
        %dma_start3A_76 = tpu.memref_squeeze %dma_start3A_75 : memref<1x10000x64xf32, #tpu.memory_space<hbm>> -> memref<10000x64xf32, #tpu.memory_space<hbm>>
        %dma_start3A_77 = arith.constant 0 : i32
        %dma_start3A_78 = arith.constant 0 : i32
        %dma_start3A_79 = tpu.memref_slice %dma_start3A_76[%dma_start3A_77, %dma_start3A_78] : memref<10000x64xf32, #tpu.memory_space<hbm>> -> memref<10000x64xf32, #tpu.memory_space<hbm>>
        tpu.enqueue_indirect_dma source(%dma_start3A_79 : memref<10000x64xf32, #tpu.memory_space<hbm>>) target(%arg10 : memref<128x64xf32, #tpu.memory_space<vmem>>) offsets(%dma_start3A_72 : memref<128xi32, #tpu.memory_space<vmem>>) semaphore(%arg13 : memref<!tpu.dma_semaphore, #tpu.memory_space<semaphore_mem>>)
        %dma_wait3A_80 = arith.constant 0 : i32
        %dma_wait3A_81 = tpu.memref_slice %arg7[%mul3A_58, %dma_wait3A_80] : memref<157x128xi32, #tpu.memory_space<vmem>> -> memref<1x128xi32, #tpu.memory_space<vmem>>
        %dma_wait3A_82 = tpu.memref_squeeze %dma_wait3A_81 : memref<1x128xi32, #tpu.memory_space<vmem>> -> memref<128xi32, #tpu.memory_space<vmem>>
        %dma_wait3A_83 = arith.constant 0 : i32
        %dma_wait3A_84 = arith.constant 0 : i32
        %dma_wait3A_85 = tpu.memref_slice %arg2[%arg0, %dma_wait3A_83, %dma_wait3A_84] : memref<2x10000x64xf32, #tpu.memory_space<hbm>> -> memref<1x10000x64xf32, #tpu.memory_space<hbm>>
        %dma_wait3A_86 = tpu.memref_squeeze %dma_wait3A_85 : memref<1x10000x64xf32, #tpu.memory_space<hbm>> -> memref<10000x64xf32, #tpu.memory_space<hbm>>
        %dma_wait3A_87 = arith.constant 0 : i32
        %dma_wait3A_88 = arith.constant 0 : i32
        %dma_wait3A_89 = tpu.memref_slice %dma_wait3A_86[%dma_wait3A_87, %dma_wait3A_88] : memref<10000x64xf32, #tpu.memory_space<hbm>> -> memref<10000x64xf32, #tpu.memory_space<hbm>>
        tpu.wait_indirect_dma semaphore(%arg12 : memref<!tpu.dma_semaphore, #tpu.memory_space<semaphore_mem>>) src(%dma_wait3A_89 : memref<10000x64xf32, #tpu.memory_space<hbm>>) dst(%arg9 : memref<128x64xf32, #tpu.memory_space<vmem>>)
        %dma_start3A_90 = arith.constant 0 : i32
        %dma_start3A_91 = tpu.memref_slice %arg8[%mul3A_58, %dma_start3A_90] : memref<157x128xi32, #tpu.memory_space<vmem>> -> memref<1x128xi32, #tpu.memory_space<vmem>>
        %dma_start3A_92 = tpu.memref_squeeze %dma_start3A_91 : memref<1x128xi32, #tpu.memory_space<vmem>> -> memref<128xi32, #tpu.memory_space<vmem>>
        %dma_start3A_93 = arith.constant 0 : i32
        %dma_start3A_94 = arith.constant 0 : i32
        %dma_start3A_95 = tpu.memref_slice %arg11[%dma_start3A_93, %dma_start3A_94] : memref<10112x64xf32, #tpu.memory_space<vmem_shared>> -> memref<10112x64xf32, #tpu.memory_space<vmem_shared>>
        tpu.enqueue_indirect_dma source(%arg9 : memref<128x64xf32, #tpu.memory_space<vmem>>) target(%dma_start3A_95 : memref<10112x64xf32, #tpu.memory_space<vmem_shared>>) offsets(%dma_start3A_92 : memref<128xi32, #tpu.memory_space<vmem>>) semaphore(%arg14 : memref<!tpu.dma_semaphore, #tpu.memory_space<semaphore_mem>>) {add = true}
        %dma_wait3A_96 = arith.constant 0 : i32
        %dma_wait3A_97 = tpu.memref_slice %arg7[%add3A_69, %dma_wait3A_96] : memref<157x128xi32, #tpu.memory_space<vmem>> -> memref<1x128xi32, #tpu.memory_space<vmem>>
        %dma_wait3A_98 = tpu.memref_squeeze %dma_wait3A_97 : memref<1x128xi32, #tpu.memory_space<vmem>> -> memref<128xi32, #tpu.memory_space<vmem>>
        %dma_wait3A_99 = arith.constant 0 : i32
        %dma_wait3A_100 = arith.constant 0 : i32
        %dma_wait3A_101 = tpu.memref_slice %arg2[%arg0, %dma_wait3A_99, %dma_wait3A_100] : memref<2x10000x64xf32, #tpu.memory_space<hbm>> -> memref<1x10000x64xf32, #tpu.memory_space<hbm>>
        %dma_wait3A_102 = tpu.memref_squeeze %dma_wait3A_101 : memref<1x10000x64xf32, #tpu.memory_space<hbm>> -> memref<10000x64xf32, #tpu.memory_space<hbm>>
        %dma_wait3A_103 = arith.constant 0 : i32
        %dma_wait3A_104 = arith.constant 0 : i32
        %dma_wait3A_105 = tpu.memref_slice %dma_wait3A_102[%dma_wait3A_103, %dma_wait3A_104] : memref<10000x64xf32, #tpu.memory_space<hbm>> -> memref<10000x64xf32, #tpu.memory_space<hbm>>
        tpu.wait_indirect_dma semaphore(%arg13 : memref<!tpu.dma_semaphore, #tpu.memory_space<semaphore_mem>>) src(%dma_wait3A_105 : memref<10000x64xf32, #tpu.memory_space<hbm>>) dst(%arg10 : memref<128x64xf32, #tpu.memory_space<vmem>>)
        %add3A_106 = arith.constant 1 : i32
        %add3A_107 = arith.addi %mul3A_58, %add3A_106 : i32
        %dma_start3A_108 = arith.constant 0 : i32
        %dma_start3A_109 = tpu.memref_slice %arg8[%add3A_107, %dma_start3A_108] : memref<157x128xi32, #tpu.memory_space<vmem>> -> memref<1x128xi32, #tpu.memory_space<vmem>>
        %dma_start3A_110 = tpu.memref_squeeze %dma_start3A_109 : memref<1x128xi32, #tpu.memory_space<vmem>> -> memref<128xi32, #tpu.memory_space<vmem>>
        %dma_start3A_111 = arith.constant 0 : i32
        %dma_start3A_112 = arith.constant 0 : i32
        %dma_start3A_113 = tpu.memref_slice %arg11[%dma_start3A_111, %dma_start3A_112] : memref<10112x64xf32, #tpu.memory_space<vmem_shared>> -> memref<10112x64xf32, #tpu.memory_space<vmem_shared>>
        tpu.enqueue_indirect_dma source(%arg10 : memref<128x64xf32, #tpu.memory_space<vmem>>) target(%dma_start3A_113 : memref<10112x64xf32, #tpu.memory_space<vmem_shared>>) offsets(%dma_start3A_110 : memref<128xi32, #tpu.memory_space<vmem>>) semaphore(%arg15 : memref<!tpu.dma_semaphore, #tpu.memory_space<semaphore_mem>>) {add = true}
        %dma_wait3A_114 = arith.constant 0 : i32
        %dma_wait3A_115 = tpu.memref_slice %arg8[%mul3A_58, %dma_wait3A_114] : memref<157x128xi32, #tpu.memory_space<vmem>> -> memref<1x128xi32, #tpu.memory_space<vmem>>
        %dma_wait3A_116 = tpu.memref_squeeze %dma_wait3A_115 : memref<1x128xi32, #tpu.memory_space<vmem>> -> memref<128xi32, #tpu.memory_space<vmem>>
        %dma_wait3A_117 = arith.constant 0 : i32
        %dma_wait3A_118 = arith.constant 0 : i32
        %dma_wait3A_119 = tpu.memref_slice %arg11[%dma_wait3A_117, %dma_wait3A_118] : memref<10112x64xf32, #tpu.memory_space<vmem_shared>> -> memref<10112x64xf32, #tpu.memory_space<vmem_shared>>
        tpu.wait_indirect_dma semaphore(%arg14 : memref<!tpu.dma_semaphore, #tpu.memory_space<semaphore_mem>>) src(%arg9 : memref<128x64xf32, #tpu.memory_space<vmem>>) dst(%dma_wait3A_119 : memref<10112x64xf32, #tpu.memory_space<vmem_shared>>)
        %dma_wait3A_120 = arith.constant 0 : i32
        %dma_wait3A_121 = tpu.memref_slice %arg8[%add3A_107, %dma_wait3A_120] : memref<157x128xi32, #tpu.memory_space<vmem>> -> memref<1x128xi32, #tpu.memory_space<vmem>>
        %dma_wait3A_122 = tpu.memref_squeeze %dma_wait3A_121 : memref<1x128xi32, #tpu.memory_space<vmem>> -> memref<128xi32, #tpu.memory_space<vmem>>
        %dma_wait3A_123 = arith.constant 0 : i32
        %dma_wait3A_124 = arith.constant 0 : i32
        %dma_wait3A_125 = tpu.memref_slice %arg11[%dma_wait3A_123, %dma_wait3A_124] : memref<10112x64xf32, #tpu.memory_space<vmem_shared>> -> memref<10112x64xf32, #tpu.memory_space<vmem_shared>>
        tpu.wait_indirect_dma semaphore(%arg15 : memref<!tpu.dma_semaphore, #tpu.memory_space<semaphore_mem>>) src(%arg10 : memref<128x64xf32, #tpu.memory_space<vmem>>) dst(%dma_wait3A_125 : memref<10112x64xf32, #tpu.memory_space<vmem_shared>>)
      }
      %scan3A_21 = arith.constant 78 : i32
      %dma_start3A = arith.constant 156 : i32
      %dma_start3A_22 = arith.constant 0 : i32
      %dma_start3A_23 = tpu.memref_slice %arg7[%dma_start3A, %dma_start3A_22] : memref<157x128xi32, #tpu.memory_space<vmem>> -> memref<1x128xi32, #tpu.memory_space<vmem>>
      %dma_start3A_24 = tpu.memref_squeeze %dma_start3A_23 : memref<1x128xi32, #tpu.memory_space<vmem>> -> memref<128xi32, #tpu.memory_space<vmem>>
      %dma_start3A_25 = arith.constant 0 : i32
      %dma_start3A_26 = arith.constant 0 : i32
      %dma_start3A_27 = tpu.memref_slice %arg2[%arg0, %dma_start3A_25, %dma_start3A_26] : memref<2x10000x64xf32, #tpu.memory_space<hbm>> -> memref<1x10000x64xf32, #tpu.memory_space<hbm>>
      %dma_start3A_28 = tpu.memref_squeeze %dma_start3A_27 : memref<1x10000x64xf32, #tpu.memory_space<hbm>> -> memref<10000x64xf32, #tpu.memory_space<hbm>>
      %dma_start3A_29 = arith.constant 0 : i32
      %dma_start3A_30 = arith.constant 0 : i32
      %dma_start3A_31 = tpu.memref_slice %dma_start3A_28[%dma_start3A_29, %dma_start3A_30] : memref<10000x64xf32, #tpu.memory_space<hbm>> -> memref<10000x64xf32, #tpu.memory_space<hbm>>
      tpu.enqueue_indirect_dma source(%dma_start3A_31 : memref<10000x64xf32, #tpu.memory_space<hbm>>) target(%arg9 : memref<128x64xf32, #tpu.memory_space<vmem>>) offsets(%dma_start3A_24 : memref<128xi32, #tpu.memory_space<vmem>>) semaphore(%arg12 : memref<!tpu.dma_semaphore, #tpu.memory_space<semaphore_mem>>)
      %dma_wait3A = arith.constant 156 : i32
      %dma_wait3A_32 = arith.constant 0 : i32
      %dma_wait3A_33 = tpu.memref_slice %arg7[%dma_wait3A, %dma_wait3A_32] : memref<157x128xi32, #tpu.memory_space<vmem>> -> memref<1x128xi32, #tpu.memory_space<vmem>>
      %dma_wait3A_34 = tpu.memref_squeeze %dma_wait3A_33 : memref<1x128xi32, #tpu.memory_space<vmem>> -> memref<128xi32, #tpu.memory_space<vmem>>
      %dma_wait3A_35 = arith.constant 0 : i32
      %dma_wait3A_36 = arith.constant 0 : i32
      %dma_wait3A_37 = tpu.memref_slice %arg2[%arg0, %dma_wait3A_35, %dma_wait3A_36] : memref<2x10000x64xf32, #tpu.memory_space<hbm>> -> memref<1x10000x64xf32, #tpu.memory_space<hbm>>
      %dma_wait3A_38 = tpu.memref_squeeze %dma_wait3A_37 : memref<1x10000x64xf32, #tpu.memory_space<hbm>> -> memref<10000x64xf32, #tpu.memory_space<hbm>>
      %dma_wait3A_39 = arith.constant 0 : i32
      %dma_wait3A_40 = arith.constant 0 : i32
      %dma_wait3A_41 = tpu.memref_slice %dma_wait3A_38[%dma_wait3A_39, %dma_wait3A_40] : memref<10000x64xf32, #tpu.memory_space<hbm>> -> memref<10000x64xf32, #tpu.memory_space<hbm>>
      tpu.wait_indirect_dma semaphore(%arg12 : memref<!tpu.dma_semaphore, #tpu.memory_space<semaphore_mem>>) src(%dma_wait3A_41 : memref<10000x64xf32, #tpu.memory_space<hbm>>) dst(%arg9 : memref<128x64xf32, #tpu.memory_space<vmem>>)
      %dma_start3A_42 = arith.constant 156 : i32
      %dma_start3A_43 = arith.constant 0 : i32
      %dma_start3A_44 = tpu.memref_slice %arg8[%dma_start3A_42, %dma_start3A_43] : memref<157x128xi32, #tpu.memory_space<vmem>> -> memref<1x128xi32, #tpu.memory_space<vmem>>
      %dma_start3A_45 = tpu.memref_squeeze %dma_start3A_44 : memref<1x128xi32, #tpu.memory_space<vmem>> -> memref<128xi32, #tpu.memory_space<vmem>>
      %dma_start3A_46 = arith.constant 0 : i32
      %dma_start3A_47 = arith.constant 0 : i32
      %dma_start3A_48 = tpu.memref_slice %arg11[%dma_start3A_46, %dma_start3A_47] : memref<10112x64xf32, #tpu.memory_space<vmem_shared>> -> memref<10112x64xf32, #tpu.memory_space<vmem_shared>>
      tpu.enqueue_indirect_dma source(%arg9 : memref<128x64xf32, #tpu.memory_space<vmem>>) target(%dma_start3A_48 : memref<10112x64xf32, #tpu.memory_space<vmem_shared>>) offsets(%dma_start3A_45 : memref<128xi32, #tpu.memory_space<vmem>>) semaphore(%arg14 : memref<!tpu.dma_semaphore, #tpu.memory_space<semaphore_mem>>) {add = true}
      %dma_wait3A_49 = arith.constant 156 : i32
      %dma_wait3A_50 = arith.constant 0 : i32
      %dma_wait3A_51 = tpu.memref_slice %arg8[%dma_wait3A_49, %dma_wait3A_50] : memref<157x128xi32, #tpu.memory_space<vmem>> -> memref<1x128xi32, #tpu.memory_space<vmem>>
      %dma_wait3A_52 = tpu.memref_squeeze %dma_wait3A_51 : memref<1x128xi32, #tpu.memory_space<vmem>> -> memref<128xi32, #tpu.memory_space<vmem>>
      %dma_wait3A_53 = arith.constant 0 : i32
      %dma_wait3A_54 = arith.constant 0 : i32
      %dma_wait3A_55 = tpu.memref_slice %arg11[%dma_wait3A_53, %dma_wait3A_54] : memref<10112x64xf32, #tpu.memory_space<vmem_shared>> -> memref<10112x64xf32, #tpu.memory_space<vmem_shared>>
      tpu.wait_indirect_dma semaphore(%arg14 : memref<!tpu.dma_semaphore, #tpu.memory_space<semaphore_mem>>) src(%arg9 : memref<128x64xf32, #tpu.memory_space<vmem>>) dst(%dma_wait3A_55 : memref<10112x64xf32, #tpu.memory_space<vmem_shared>>)
    }
    %scan3A_5 = arith.constant 2 : i32
    %barrier3A_6 = arith.constant 0 : index
    tpu.barrier barrier_id(%barrier3A_6)
    %mul3A_7 = arith.constant 632 : i32
    %mul3A_8 = arith.muli %arg1, %mul3A_7 : i32
    %mul3A_9 = arith.constant 632 : i32
    %mul3A_10 = arith.muli %arg1, %mul3A_9 : i32
    "tpu.region"() ({
      %run_scoped3A = tpu.sem_alloc : memref<!tpu.dma_semaphore, #tpu.memory_space<semaphore_mem>>
      %dma_start3A = arith.constant 0 : i32
      %dma_start3A_11 = tpu.memref_slice %arg6[%arg0, %mul3A_10, %dma_start3A] : memref<2x10112x64xf32, #tpu.memory_space<hbm>> -> memref<1x632x64xf32, #tpu.memory_space<hbm>>
      %dma_start3A_12 = tpu.memref_squeeze %dma_start3A_11 : memref<1x632x64xf32, #tpu.memory_space<hbm>> -> memref<632x64xf32, #tpu.memory_space<hbm>>
      %dma_start3A_13 = arith.constant 0 : i32
      %dma_start3A_14 = tpu.memref_slice %arg11[%mul3A_8, %dma_start3A_13] : memref<10112x64xf32, #tpu.memory_space<vmem_shared>> -> memref<632x64xf32, #tpu.memory_space<vmem_shared>>
      tpu.enqueue_dma source(%dma_start3A_14 : memref<632x64xf32, #tpu.memory_space<vmem_shared>>) target(%dma_start3A_12 : memref<632x64xf32, #tpu.memory_space<hbm>>) target_semaphore(%run_scoped3A : memref<!tpu.dma_semaphore, #tpu.memory_space<semaphore_mem>>)
      %dma_wait3A = arith.constant 0 : i32
      %dma_wait3A_15 = tpu.memref_slice %arg6[%arg0, %mul3A_10, %dma_wait3A] : memref<2x10112x64xf32, #tpu.memory_space<hbm>> -> memref<1x632x64xf32, #tpu.memory_space<hbm>>
      %dma_wait3A_16 = tpu.memref_squeeze %dma_wait3A_15 : memref<1x632x64xf32, #tpu.memory_space<hbm>> -> memref<632x64xf32, #tpu.memory_space<hbm>>
      %dma_wait3A_17 = arith.constant 0 : i32
      %dma_wait3A_18 = tpu.memref_slice %arg11[%mul3A_8, %dma_wait3A_17] : memref<10112x64xf32, #tpu.memory_space<vmem_shared>> -> memref<632x64xf32, #tpu.memory_space<vmem_shared>>
      tpu.wait_dma2 semaphore(%run_scoped3A : memref<!tpu.dma_semaphore, #tpu.memory_space<semaphore_mem>>) src(%dma_wait3A_18 : memref<632x64xf32, #tpu.memory_space<vmem_shared>>) dst(%dma_wait3A_16 : memref<632x64xf32, #tpu.memory_space<hbm>>)
      tpu.yield
    }) : () -> ()
    return
  }
}

module attributes {stable_mosaic.version = 14 : i64} {
  func.func @_tc_body(%arg0: i32, %arg1: memref<2x1000x64xf32, #tpu.memory_space<vmem>>, %arg2: memref<1000x64xf32, #tpu.memory_space<vmem>>, %arg3: memref<1000x48xf32, #tpu.memory_space<vmem>>, %arg4: memref<1000x9xf32, #tpu.memory_space<vmem>>, %arg5: memref<224x112xf32, #tpu.memory_space<vmem>>, %arg6: memref<112x112xf32, #tpu.memory_space<vmem>>, %arg7: memref<1000x64xf32, #tpu.memory_space<vmem>>, %arg8: memref<1000x48xf32, #tpu.memory_space<vmem>>) attributes {dimension_semantics = [#tpu.dimension_semantics<arbitrary>], iteration_bounds = array<i64: 10>, scalar_prefetch = 0 : i64, scratch_operands = 0 : i64, tpu.core_type = #tpu.core_type<tc>, window_params = [{transform_indices = @transform_0, window_bounds = array<i64: 2, 1000, 64>}, {transform_indices = @transform_1, window_bounds = array<i64: 1000, 64>}, {transform_indices = @transform_2, window_bounds = array<i64: 1000, 48>}, {transform_indices = @transform_3, window_bounds = array<i64: 1000, 9>}, {pipeline_mode = #tpu.pipeline_mode<synchronous>, transform_indices = @transform_4, window_bounds = array<i64: 224, 112>}, {pipeline_mode = #tpu.pipeline_mode<synchronous>, transform_indices = @transform_5, window_bounds = array<i64: 112, 112>}, {transform_indices = @transform_6, window_bounds = array<i64: 1000, 64>}, {transform_indices = @transform_7, window_bounds = array<i64: 1000, 48>}]} {
    %get3A = arith.constant 0 : index
    %get3A_0 = arith.constant 0 : index
    %get3A_1 = arith.constant 0 : index
    %get3A_2 = vector.load %arg1[%get3A, %get3A_0, %get3A_1] : memref<2x1000x64xf32, #tpu.memory_space<vmem>>, vector<1x1000x64xf32>
    %get3A_3 = vector.shape_cast %get3A_2 : vector<1x1000x64xf32> to vector<1000x64xf32>
    %get3A_4 = arith.constant 1 : index
    %get3A_5 = arith.constant 0 : index
    %get3A_6 = arith.constant 0 : index
    %get3A_7 = vector.load %arg1[%get3A_4, %get3A_5, %get3A_6] : memref<2x1000x64xf32, #tpu.memory_space<vmem>>, vector<1x1000x64xf32>
    %get3A_8 = vector.shape_cast %get3A_7 : vector<1x1000x64xf32> to vector<1000x64xf32>
    %slice3A = vector.extract_strided_slice %get3A_8 {offsets = [0, 0], sizes = [1000, 48], strides = [1, 1]} : vector<1000x64xf32> to vector<1000x48xf32>
    %get3A_9 = arith.constant 0 : index
    %get3A_10 = arith.constant 0 : index
    %get3A_11 = vector.load %arg2[%get3A_9, %get3A_10] : memref<1000x64xf32, #tpu.memory_space<vmem>>, vector<1000x64xf32>
    %get3A_12 = arith.constant 0 : index
    %get3A_13 = arith.constant 0 : index
    %get3A_14 = vector.load %arg3[%get3A_12, %get3A_13] : memref<1000x48xf32, #tpu.memory_space<vmem>>, vector<1000x48xf32>
    %get3A_15 = arith.constant 0 : index
    %get3A_16 = arith.constant 0 : index
    %get3A_17 = vector.load %arg4[%get3A_15, %get3A_16] : memref<1000x9xf32, #tpu.memory_space<vmem>>, vector<1000x9xf32>
    %slice3A_18 = vector.extract_strided_slice %slice3A {offsets = [0, 0], sizes = [1000, 16], strides = [1, 1]} : vector<1000x48xf32> to vector<1000x16xf32>
    %slice3A_19 = vector.extract_strided_slice %get3A_14 {offsets = [0, 0], sizes = [1000, 16], strides = [1, 1]} : vector<1000x48xf32> to vector<1000x16xf32>
    %concatenate3A = tpu.concatenate %slice3A_18, %slice3A_19 in 1 : vector<1000x16xf32>, vector<1000x16xf32> -> vector<1000x32xf32>
    %slice3A_20 = vector.extract_strided_slice %slice3A {offsets = [0, 16], sizes = [1000, 16], strides = [1, 1]} : vector<1000x48xf32> to vector<1000x16xf32>
    %slice3A_21 = vector.extract_strided_slice %get3A_14 {offsets = [0, 16], sizes = [1000, 16], strides = [1, 1]} : vector<1000x48xf32> to vector<1000x16xf32>
    %concatenate3A_22 = tpu.concatenate %slice3A_20, %slice3A_21 in 1 : vector<1000x16xf32>, vector<1000x16xf32> -> vector<1000x32xf32>
    %slice3A_23 = vector.extract_strided_slice %slice3A {offsets = [0, 32], sizes = [1000, 16], strides = [1, 1]} : vector<1000x48xf32> to vector<1000x16xf32>
    %slice3A_24 = vector.extract_strided_slice %get3A_14 {offsets = [0, 32], sizes = [1000, 16], strides = [1, 1]} : vector<1000x48xf32> to vector<1000x16xf32>
    %concatenate3A_25 = tpu.concatenate %slice3A_23, %slice3A_24 in 1 : vector<1000x16xf32>, vector<1000x16xf32> -> vector<1000x32xf32>
    %slice3A_26 = vector.extract_strided_slice %get3A_17 {offsets = [0, 0], sizes = [1000, 1], strides = [1, 1]} : vector<1000x9xf32> to vector<1000x1xf32>
    %mul3A = vector.broadcast %slice3A_26 : vector<1000x1xf32> to vector<1000x32xf32>
    %mul3A_27 = arith.mulf %mul3A, %concatenate3A : vector<1000x32xf32>
    %slice3A_28 = vector.extract_strided_slice %get3A_17 {offsets = [0, 1], sizes = [1000, 1], strides = [1, 1]} : vector<1000x9xf32> to vector<1000x1xf32>
    %mul3A_29 = vector.broadcast %slice3A_28 : vector<1000x1xf32> to vector<1000x32xf32>
    %mul3A_30 = arith.mulf %mul3A_29, %concatenate3A_22 : vector<1000x32xf32>
    %add3A = arith.addf %mul3A_27, %mul3A_30 : vector<1000x32xf32>
    %slice3A_31 = vector.extract_strided_slice %get3A_17 {offsets = [0, 2], sizes = [1000, 1], strides = [1, 1]} : vector<1000x9xf32> to vector<1000x1xf32>
    %mul3A_32 = vector.broadcast %slice3A_31 : vector<1000x1xf32> to vector<1000x32xf32>
    %mul3A_33 = arith.mulf %mul3A_32, %concatenate3A_25 : vector<1000x32xf32>
    %add3A_34 = arith.addf %add3A, %mul3A_33 : vector<1000x32xf32>
    %slice3A_35 = vector.extract_strided_slice %get3A_17 {offsets = [0, 3], sizes = [1000, 1], strides = [1, 1]} : vector<1000x9xf32> to vector<1000x1xf32>
    %mul3A_36 = vector.broadcast %slice3A_35 : vector<1000x1xf32> to vector<1000x32xf32>
    %mul3A_37 = arith.mulf %mul3A_36, %concatenate3A : vector<1000x32xf32>
    %slice3A_38 = vector.extract_strided_slice %get3A_17 {offsets = [0, 4], sizes = [1000, 1], strides = [1, 1]} : vector<1000x9xf32> to vector<1000x1xf32>
    %mul3A_39 = vector.broadcast %slice3A_38 : vector<1000x1xf32> to vector<1000x32xf32>
    %mul3A_40 = arith.mulf %mul3A_39, %concatenate3A_22 : vector<1000x32xf32>
    %add3A_41 = arith.addf %mul3A_37, %mul3A_40 : vector<1000x32xf32>
    %slice3A_42 = vector.extract_strided_slice %get3A_17 {offsets = [0, 5], sizes = [1000, 1], strides = [1, 1]} : vector<1000x9xf32> to vector<1000x1xf32>
    %mul3A_43 = vector.broadcast %slice3A_42 : vector<1000x1xf32> to vector<1000x32xf32>
    %mul3A_44 = arith.mulf %mul3A_43, %concatenate3A_25 : vector<1000x32xf32>
    %add3A_45 = arith.addf %add3A_41, %mul3A_44 : vector<1000x32xf32>
    %slice3A_46 = vector.extract_strided_slice %get3A_17 {offsets = [0, 6], sizes = [1000, 1], strides = [1, 1]} : vector<1000x9xf32> to vector<1000x1xf32>
    %mul3A_47 = vector.broadcast %slice3A_46 : vector<1000x1xf32> to vector<1000x32xf32>
    %mul3A_48 = arith.mulf %mul3A_47, %concatenate3A : vector<1000x32xf32>
    %slice3A_49 = vector.extract_strided_slice %get3A_17 {offsets = [0, 7], sizes = [1000, 1], strides = [1, 1]} : vector<1000x9xf32> to vector<1000x1xf32>
    %mul3A_50 = vector.broadcast %slice3A_49 : vector<1000x1xf32> to vector<1000x32xf32>
    %mul3A_51 = arith.mulf %mul3A_50, %concatenate3A_22 : vector<1000x32xf32>
    %add3A_52 = arith.addf %mul3A_48, %mul3A_51 : vector<1000x32xf32>
    %slice3A_53 = vector.extract_strided_slice %get3A_17 {offsets = [0, 8], sizes = [1000, 1], strides = [1, 1]} : vector<1000x9xf32> to vector<1000x1xf32>
    %mul3A_54 = vector.broadcast %slice3A_53 : vector<1000x1xf32> to vector<1000x32xf32>
    %mul3A_55 = arith.mulf %mul3A_54, %concatenate3A_25 : vector<1000x32xf32>
    %add3A_56 = arith.addf %add3A_52, %mul3A_55 : vector<1000x32xf32>
    %concatenate3A_57 = tpu.concatenate %get3A_3, %get3A_11, %add3A_34, %add3A_45, %add3A_56 in 1 : vector<1000x64xf32>, vector<1000x64xf32>, vector<1000x32xf32>, vector<1000x32xf32>, vector<1000x32xf32> -> vector<1000x224xf32>
    %get3A_58 = arith.constant 0 : index
    %get3A_59 = arith.constant 0 : index
    %get3A_60 = vector.load %arg5[%get3A_58, %get3A_59] : memref<224x112xf32, #tpu.memory_space<vmem>>, vector<224x112xf32>
    %dot_general3A = arith.constant dense<0.000000e+00> : vector<1000x112xf32>
    %dot_general3A_61 = tpu.matmul %concatenate3A_57, %get3A_60, %dot_general3A {dimension_numbers = #tpu.dot_dimension_numbers<[1], [0], [0], [1], [0, 0, 1, 1], [], []>, transpose_lhs_hint = false} : vector<1000x224xf32>, vector<224x112xf32>, vector<1000x112xf32> -> vector<1000x112xf32>
    %slice3A_62 = vector.extract_strided_slice %dot_general3A_61 {offsets = [0, 0], sizes = [1000, 64], strides = [1, 1]} : vector<1000x112xf32> to vector<1000x64xf32>
    %logistic3A = arith.negf %slice3A_62 : vector<1000x64xf32>
    %logistic3A_63 = math.exp %logistic3A : vector<1000x64xf32>
    %logistic3A_64 = arith.constant 1.000000e+00 : f32
    %logistic3A_65 = vector.broadcast %logistic3A_64 : f32 to vector<1000x64xf32>
    %logistic3A_66 = arith.addf %logistic3A_65, %logistic3A_63 : vector<1000x64xf32>
    %logistic3A_67 = arith.divf %logistic3A_65, %logistic3A_66 : vector<1000x64xf32>
    %mul3A_68 = arith.mulf %slice3A_62, %logistic3A_67 : vector<1000x64xf32>
    %slice3A_69 = vector.extract_strided_slice %dot_general3A_61 {offsets = [0, 64], sizes = [1000, 16], strides = [1, 1]} : vector<1000x112xf32> to vector<1000x16xf32>
    %slice3A_70 = vector.extract_strided_slice %dot_general3A_61 {offsets = [0, 80], sizes = [1000, 16], strides = [1, 1]} : vector<1000x112xf32> to vector<1000x16xf32>
    %slice3A_71 = vector.extract_strided_slice %dot_general3A_61 {offsets = [0, 96], sizes = [1000, 16], strides = [1, 1]} : vector<1000x112xf32> to vector<1000x16xf32>
    %slice3A_72 = vector.extract_strided_slice %get3A_17 {offsets = [0, 0], sizes = [1000, 1], strides = [1, 1]} : vector<1000x9xf32> to vector<1000x1xf32>
    %mul3A_73 = vector.broadcast %slice3A_72 : vector<1000x1xf32> to vector<1000x16xf32>
    %mul3A_74 = arith.mulf %mul3A_73, %slice3A_69 : vector<1000x16xf32>
    %slice3A_75 = vector.extract_strided_slice %get3A_17 {offsets = [0, 3], sizes = [1000, 1], strides = [1, 1]} : vector<1000x9xf32> to vector<1000x1xf32>
    %mul3A_76 = vector.broadcast %slice3A_75 : vector<1000x1xf32> to vector<1000x16xf32>
    %mul3A_77 = arith.mulf %mul3A_76, %slice3A_70 : vector<1000x16xf32>
    %add3A_78 = arith.addf %mul3A_74, %mul3A_77 : vector<1000x16xf32>
    %slice3A_79 = vector.extract_strided_slice %get3A_17 {offsets = [0, 6], sizes = [1000, 1], strides = [1, 1]} : vector<1000x9xf32> to vector<1000x1xf32>
    %mul3A_80 = vector.broadcast %slice3A_79 : vector<1000x1xf32> to vector<1000x16xf32>
    %mul3A_81 = arith.mulf %mul3A_80, %slice3A_71 : vector<1000x16xf32>
    %add3A_82 = arith.addf %add3A_78, %mul3A_81 : vector<1000x16xf32>
    %slice3A_83 = vector.extract_strided_slice %get3A_17 {offsets = [0, 1], sizes = [1000, 1], strides = [1, 1]} : vector<1000x9xf32> to vector<1000x1xf32>
    %mul3A_84 = vector.broadcast %slice3A_83 : vector<1000x1xf32> to vector<1000x16xf32>
    %mul3A_85 = arith.mulf %mul3A_84, %slice3A_69 : vector<1000x16xf32>
    %slice3A_86 = vector.extract_strided_slice %get3A_17 {offsets = [0, 4], sizes = [1000, 1], strides = [1, 1]} : vector<1000x9xf32> to vector<1000x1xf32>
    %mul3A_87 = vector.broadcast %slice3A_86 : vector<1000x1xf32> to vector<1000x16xf32>
    %mul3A_88 = arith.mulf %mul3A_87, %slice3A_70 : vector<1000x16xf32>
    %add3A_89 = arith.addf %mul3A_85, %mul3A_88 : vector<1000x16xf32>
    %slice3A_90 = vector.extract_strided_slice %get3A_17 {offsets = [0, 7], sizes = [1000, 1], strides = [1, 1]} : vector<1000x9xf32> to vector<1000x1xf32>
    %mul3A_91 = vector.broadcast %slice3A_90 : vector<1000x1xf32> to vector<1000x16xf32>
    %mul3A_92 = arith.mulf %mul3A_91, %slice3A_71 : vector<1000x16xf32>
    %add3A_93 = arith.addf %add3A_89, %mul3A_92 : vector<1000x16xf32>
    %slice3A_94 = vector.extract_strided_slice %get3A_17 {offsets = [0, 2], sizes = [1000, 1], strides = [1, 1]} : vector<1000x9xf32> to vector<1000x1xf32>
    %mul3A_95 = vector.broadcast %slice3A_94 : vector<1000x1xf32> to vector<1000x16xf32>
    %mul3A_96 = arith.mulf %mul3A_95, %slice3A_69 : vector<1000x16xf32>
    %slice3A_97 = vector.extract_strided_slice %get3A_17 {offsets = [0, 5], sizes = [1000, 1], strides = [1, 1]} : vector<1000x9xf32> to vector<1000x1xf32>
    %mul3A_98 = vector.broadcast %slice3A_97 : vector<1000x1xf32> to vector<1000x16xf32>
    %mul3A_99 = arith.mulf %mul3A_98, %slice3A_70 : vector<1000x16xf32>
    %add3A_100 = arith.addf %mul3A_96, %mul3A_99 : vector<1000x16xf32>
    %slice3A_101 = vector.extract_strided_slice %get3A_17 {offsets = [0, 8], sizes = [1000, 1], strides = [1, 1]} : vector<1000x9xf32> to vector<1000x1xf32>
    %mul3A_102 = vector.broadcast %slice3A_101 : vector<1000x1xf32> to vector<1000x16xf32>
    %mul3A_103 = arith.mulf %mul3A_102, %slice3A_71 : vector<1000x16xf32>
    %add3A_104 = arith.addf %add3A_100, %mul3A_103 : vector<1000x16xf32>
    %slice3A_105 = vector.extract_strided_slice %get3A_17 {offsets = [0, 0], sizes = [1000, 1], strides = [1, 1]} : vector<1000x9xf32> to vector<1000x1xf32>
    %mul3A_106 = vector.broadcast %slice3A_105 : vector<1000x1xf32> to vector<1000x16xf32>
    %mul3A_107 = arith.mulf %mul3A_106, %add3A_82 : vector<1000x16xf32>
    %slice3A_108 = vector.extract_strided_slice %get3A_17 {offsets = [0, 1], sizes = [1000, 1], strides = [1, 1]} : vector<1000x9xf32> to vector<1000x1xf32>
    %mul3A_109 = vector.broadcast %slice3A_108 : vector<1000x1xf32> to vector<1000x16xf32>
    %mul3A_110 = arith.mulf %mul3A_109, %add3A_93 : vector<1000x16xf32>
    %add3A_111 = arith.addf %mul3A_107, %mul3A_110 : vector<1000x16xf32>
    %slice3A_112 = vector.extract_strided_slice %get3A_17 {offsets = [0, 2], sizes = [1000, 1], strides = [1, 1]} : vector<1000x9xf32> to vector<1000x1xf32>
    %mul3A_113 = vector.broadcast %slice3A_112 : vector<1000x1xf32> to vector<1000x16xf32>
    %mul3A_114 = arith.mulf %mul3A_113, %add3A_104 : vector<1000x16xf32>
    %add3A_115 = arith.addf %add3A_111, %mul3A_114 : vector<1000x16xf32>
    %slice3A_116 = vector.extract_strided_slice %get3A_17 {offsets = [0, 3], sizes = [1000, 1], strides = [1, 1]} : vector<1000x9xf32> to vector<1000x1xf32>
    %mul3A_117 = vector.broadcast %slice3A_116 : vector<1000x1xf32> to vector<1000x16xf32>
    %mul3A_118 = arith.mulf %mul3A_117, %add3A_82 : vector<1000x16xf32>
    %slice3A_119 = vector.extract_strided_slice %get3A_17 {offsets = [0, 4], sizes = [1000, 1], strides = [1, 1]} : vector<1000x9xf32> to vector<1000x1xf32>
    %mul3A_120 = vector.broadcast %slice3A_119 : vector<1000x1xf32> to vector<1000x16xf32>
    %mul3A_121 = arith.mulf %mul3A_120, %add3A_93 : vector<1000x16xf32>
    %add3A_122 = arith.addf %mul3A_118, %mul3A_121 : vector<1000x16xf32>
    %slice3A_123 = vector.extract_strided_slice %get3A_17 {offsets = [0, 5], sizes = [1000, 1], strides = [1, 1]} : vector<1000x9xf32> to vector<1000x1xf32>
    %mul3A_124 = vector.broadcast %slice3A_123 : vector<1000x1xf32> to vector<1000x16xf32>
    %mul3A_125 = arith.mulf %mul3A_124, %add3A_104 : vector<1000x16xf32>
    %add3A_126 = arith.addf %add3A_122, %mul3A_125 : vector<1000x16xf32>
    %slice3A_127 = vector.extract_strided_slice %get3A_17 {offsets = [0, 6], sizes = [1000, 1], strides = [1, 1]} : vector<1000x9xf32> to vector<1000x1xf32>
    %mul3A_128 = vector.broadcast %slice3A_127 : vector<1000x1xf32> to vector<1000x16xf32>
    %mul3A_129 = arith.mulf %mul3A_128, %add3A_82 : vector<1000x16xf32>
    %slice3A_130 = vector.extract_strided_slice %get3A_17 {offsets = [0, 7], sizes = [1000, 1], strides = [1, 1]} : vector<1000x9xf32> to vector<1000x1xf32>
    %mul3A_131 = vector.broadcast %slice3A_130 : vector<1000x1xf32> to vector<1000x16xf32>
    %mul3A_132 = arith.mulf %mul3A_131, %add3A_93 : vector<1000x16xf32>
    %add3A_133 = arith.addf %mul3A_129, %mul3A_132 : vector<1000x16xf32>
    %slice3A_134 = vector.extract_strided_slice %get3A_17 {offsets = [0, 8], sizes = [1000, 1], strides = [1, 1]} : vector<1000x9xf32> to vector<1000x1xf32>
    %mul3A_135 = vector.broadcast %slice3A_134 : vector<1000x1xf32> to vector<1000x16xf32>
    %mul3A_136 = arith.mulf %mul3A_135, %add3A_104 : vector<1000x16xf32>
    %add3A_137 = arith.addf %add3A_133, %mul3A_136 : vector<1000x16xf32>
    %concatenate3A_138 = tpu.concatenate %mul3A_68, %add3A_115, %add3A_126, %add3A_137 in 1 : vector<1000x64xf32>, vector<1000x16xf32>, vector<1000x16xf32>, vector<1000x16xf32> -> vector<1000x112xf32>
    %get3A_139 = arith.constant 0 : index
    %get3A_140 = arith.constant 0 : index
    %get3A_141 = vector.load %arg6[%get3A_139, %get3A_140] : memref<112x112xf32, #tpu.memory_space<vmem>>, vector<112x112xf32>
    %dot_general3A_142 = arith.constant dense<0.000000e+00> : vector<1000x112xf32>
    %dot_general3A_143 = tpu.matmul %concatenate3A_138, %get3A_141, %dot_general3A_142 {dimension_numbers = #tpu.dot_dimension_numbers<[1], [0], [0], [1], [0, 0, 1, 1], [], []>, transpose_lhs_hint = false} : vector<1000x112xf32>, vector<112x112xf32>, vector<1000x112xf32> -> vector<1000x112xf32>
    %slice3A_144 = vector.extract_strided_slice %dot_general3A_143 {offsets = [0, 0], sizes = [1000, 64], strides = [1, 1]} : vector<1000x112xf32> to vector<1000x64xf32>
    %logistic3A_145 = arith.negf %slice3A_144 : vector<1000x64xf32>
    %logistic3A_146 = math.exp %logistic3A_145 : vector<1000x64xf32>
    %logistic3A_147 = arith.constant 1.000000e+00 : f32
    %logistic3A_148 = vector.broadcast %logistic3A_147 : f32 to vector<1000x64xf32>
    %logistic3A_149 = arith.addf %logistic3A_148, %logistic3A_146 : vector<1000x64xf32>
    %logistic3A_150 = arith.divf %logistic3A_148, %logistic3A_149 : vector<1000x64xf32>
    %mul3A_151 = arith.mulf %slice3A_144, %logistic3A_150 : vector<1000x64xf32>
    %swap3A = arith.constant 0 : index
    %swap3A_152 = arith.constant 0 : index
    %swap3A_153 = vector.load %arg7[%swap3A, %swap3A_152] : memref<1000x64xf32, #tpu.memory_space<vmem>>, vector<1000x64xf32>
    tpu.vector_store %arg7[%swap3A, %swap3A_152], %mul3A_151 {strides = array<i32>} : memref<1000x64xf32, #tpu.memory_space<vmem>>, vector<1000x64xf32>,
    %slice3A_154 = vector.extract_strided_slice %dot_general3A_143 {offsets = [0, 64], sizes = [1000, 16], strides = [1, 1]} : vector<1000x112xf32> to vector<1000x16xf32>
    %slice3A_155 = vector.extract_strided_slice %dot_general3A_143 {offsets = [0, 80], sizes = [1000, 16], strides = [1, 1]} : vector<1000x112xf32> to vector<1000x16xf32>
    %slice3A_156 = vector.extract_strided_slice %dot_general3A_143 {offsets = [0, 96], sizes = [1000, 16], strides = [1, 1]} : vector<1000x112xf32> to vector<1000x16xf32>
    %slice3A_157 = vector.extract_strided_slice %get3A_17 {offsets = [0, 0], sizes = [1000, 1], strides = [1, 1]} : vector<1000x9xf32> to vector<1000x1xf32>
    %mul3A_158 = vector.broadcast %slice3A_157 : vector<1000x1xf32> to vector<1000x16xf32>
    %mul3A_159 = arith.mulf %mul3A_158, %slice3A_154 : vector<1000x16xf32>
    %slice3A_160 = vector.extract_strided_slice %get3A_17 {offsets = [0, 3], sizes = [1000, 1], strides = [1, 1]} : vector<1000x9xf32> to vector<1000x1xf32>
    %mul3A_161 = vector.broadcast %slice3A_160 : vector<1000x1xf32> to vector<1000x16xf32>
    %mul3A_162 = arith.mulf %mul3A_161, %slice3A_155 : vector<1000x16xf32>
    %add3A_163 = arith.addf %mul3A_159, %mul3A_162 : vector<1000x16xf32>
    %slice3A_164 = vector.extract_strided_slice %get3A_17 {offsets = [0, 6], sizes = [1000, 1], strides = [1, 1]} : vector<1000x9xf32> to vector<1000x1xf32>
    %mul3A_165 = vector.broadcast %slice3A_164 : vector<1000x1xf32> to vector<1000x16xf32>
    %mul3A_166 = arith.mulf %mul3A_165, %slice3A_156 : vector<1000x16xf32>
    %add3A_167 = arith.addf %add3A_163, %mul3A_166 : vector<1000x16xf32>
    %slice3A_168 = vector.extract_strided_slice %get3A_17 {offsets = [0, 1], sizes = [1000, 1], strides = [1, 1]} : vector<1000x9xf32> to vector<1000x1xf32>
    %mul3A_169 = vector.broadcast %slice3A_168 : vector<1000x1xf32> to vector<1000x16xf32>
    %mul3A_170 = arith.mulf %mul3A_169, %slice3A_154 : vector<1000x16xf32>
    %slice3A_171 = vector.extract_strided_slice %get3A_17 {offsets = [0, 4], sizes = [1000, 1], strides = [1, 1]} : vector<1000x9xf32> to vector<1000x1xf32>
    %mul3A_172 = vector.broadcast %slice3A_171 : vector<1000x1xf32> to vector<1000x16xf32>
    %mul3A_173 = arith.mulf %mul3A_172, %slice3A_155 : vector<1000x16xf32>
    %add3A_174 = arith.addf %mul3A_170, %mul3A_173 : vector<1000x16xf32>
    %slice3A_175 = vector.extract_strided_slice %get3A_17 {offsets = [0, 7], sizes = [1000, 1], strides = [1, 1]} : vector<1000x9xf32> to vector<1000x1xf32>
    %mul3A_176 = vector.broadcast %slice3A_175 : vector<1000x1xf32> to vector<1000x16xf32>
    %mul3A_177 = arith.mulf %mul3A_176, %slice3A_156 : vector<1000x16xf32>
    %add3A_178 = arith.addf %add3A_174, %mul3A_177 : vector<1000x16xf32>
    %slice3A_179 = vector.extract_strided_slice %get3A_17 {offsets = [0, 2], sizes = [1000, 1], strides = [1, 1]} : vector<1000x9xf32> to vector<1000x1xf32>
    %mul3A_180 = vector.broadcast %slice3A_179 : vector<1000x1xf32> to vector<1000x16xf32>
    %mul3A_181 = arith.mulf %mul3A_180, %slice3A_154 : vector<1000x16xf32>
    %slice3A_182 = vector.extract_strided_slice %get3A_17 {offsets = [0, 5], sizes = [1000, 1], strides = [1, 1]} : vector<1000x9xf32> to vector<1000x1xf32>
    %mul3A_183 = vector.broadcast %slice3A_182 : vector<1000x1xf32> to vector<1000x16xf32>
    %mul3A_184 = arith.mulf %mul3A_183, %slice3A_155 : vector<1000x16xf32>
    %add3A_185 = arith.addf %mul3A_181, %mul3A_184 : vector<1000x16xf32>
    %slice3A_186 = vector.extract_strided_slice %get3A_17 {offsets = [0, 8], sizes = [1000, 1], strides = [1, 1]} : vector<1000x9xf32> to vector<1000x1xf32>
    %mul3A_187 = vector.broadcast %slice3A_186 : vector<1000x1xf32> to vector<1000x16xf32>
    %mul3A_188 = arith.mulf %mul3A_187, %slice3A_156 : vector<1000x16xf32>
    %add3A_189 = arith.addf %add3A_185, %mul3A_188 : vector<1000x16xf32>
    %concatenate3A_190 = tpu.concatenate %add3A_167, %add3A_178, %add3A_189 in 1 : vector<1000x16xf32>, vector<1000x16xf32>, vector<1000x16xf32> -> vector<1000x48xf32>
    %swap3A_191 = arith.constant 0 : index
    %swap3A_192 = arith.constant 0 : index
    %swap3A_193 = vector.load %arg8[%swap3A_191, %swap3A_192] : memref<1000x48xf32, #tpu.memory_space<vmem>>, vector<1000x48xf32>
    tpu.vector_store %arg8[%swap3A_191, %swap3A_192], %concatenate3A_190 {strides = array<i32>} : memref<1000x48xf32, #tpu.memory_space<vmem>>, vector<1000x48xf32>,
    return
  }
  func.func @transform_0(%arg0: i32) -> (i32, i32, i32) {
    %c0_i32 = arith.constant 0 : i32
    %c0_i32_0 = arith.constant 0 : i32
    %c0_i32_1 = arith.constant 0 : i32
    return %c0_i32, %arg0, %c0_i32_0 : i32, i32, i32
  }
  func.func @transform_1(%arg0: i32) -> (i32, i32) {
    %c0_i32 = arith.constant 0 : i32
    %c0_i32_0 = arith.constant 0 : i32
    return %arg0, %c0_i32 : i32, i32
  }
  func.func @transform_2(%arg0: i32) -> (i32, i32) {
    %c0_i32 = arith.constant 0 : i32
    %c0_i32_0 = arith.constant 0 : i32
    return %arg0, %c0_i32 : i32, i32
  }
  func.func @transform_3(%arg0: i32) -> (i32, i32) {
    %c0_i32 = arith.constant 0 : i32
    %c0_i32_0 = arith.constant 0 : i32
    return %arg0, %c0_i32 : i32, i32
  }
  func.func @transform_4(%arg0: i32) -> (i32, i32) {
    %c0_i32 = arith.constant 0 : i32
    %c0_i32_0 = arith.constant 0 : i32
    %c0_i32_1 = arith.constant 0 : i32
    return %c0_i32, %c0_i32_0 : i32, i32
  }
  func.func @transform_5(%arg0: i32) -> (i32, i32) {
    %c0_i32 = arith.constant 0 : i32
    %c0_i32_0 = arith.constant 0 : i32
    %c0_i32_1 = arith.constant 0 : i32
    return %c0_i32, %c0_i32_0 : i32, i32
  }
  func.func @transform_6(%arg0: i32) -> (i32, i32) {
    %c0_i32 = arith.constant 0 : i32
    %c0_i32_0 = arith.constant 0 : i32
    return %arg0, %c0_i32 : i32, i32
  }
  func.func @transform_7(%arg0: i32) -> (i32, i32) {
    %c0_i32 = arith.constant 0 : i32
    %c0_i32_0 = arith.constant 0 : i32
    return %arg0, %c0_i32 : i32, i32
  }
}

</mosaic_0001>

<sc_bundles>
// kernel: kernel.4.cloned.1.call-start
scs
__scs_entry_jumppad:
0x0: {  	(pc) =	sbr.rel $0x88, $3  }
0x1: {  	(tag) =	ssettag $0x0;
	lr =	simm.s32 $0x1  }
0x2: {  	[smem:$0x3F99] =	sst lr;
	_ =	strace $0xD0000000  }
0x3: {  	_ = 	snop  }
0x4: {  	_ = 	snop  }
0x5: {  	_ = 	snop  }
0x6: {  	_ = 	snop  }
0x7: {  	_ = 	snop  }
__scs_overlays_trampoline_lowered:
0x8: {  	[smem:$0x3FA8] =	sst s0  }
0x9: {  	[smem:$0x3FA9] =	sst s1  }
0xa: {  	[smem:$0x3FAA] =	sst s2  }
0xb: {  	[smem:$0x3FAB] =	sst s3  }
0xc: {  	[smem:$0x3FAC] =	sst s4  }
0xd: {  	[smem:$0x3FAD] =	sst s5  }
0xe: {  	[smem:$0x3FAE] =	sst s6  }
0xf: {  	[smem:$0x3FAF] =	sst s7  }
0x10: {  	[smem:$0x3FB0] =	sst s8  }
0x11: {  	[smem:$0x3FB1] =	sst s9;
	s0 =	simm.s32 @!p0 $0x0  }
0x12: {  	s1 =	sld [smem:$0x3F97];
	s0 =	simm.s32 @p0 $0x1  }
0x13: {  	[smem:$0x3FB2] =	sst s0;
	s0 =	simm.s32 @!p1 $0x0  }
0x14: {  	s2 =	sld [smem:$0x3F96];
	s0 =	simm.s32 @p1 $0x1  }
0x15: {  	[smem:$0x3FB3] =	sst s0;
	s0 =	simm.s32 @!p2 $0x0  }
0x16: {  	s3 =	sld [smem:$0x3FDB];
	s0 =	simm.s32 @p2 $0x1  }
0x17: {  	s4 =	simm.s32 $0x1BF5;
	[smem:$0x3FB5] =	sst s0  }
0x18: {  	s0 =	sld [smem:$0x3F98];
	_ =	swait.ge [sflag:s4], $0x0  }
0x19: {  	s7 =	sld [smem:$0x3F99]  }
0x1a: {  	s8 =	sadd.s32 $0xFFFFE003, lr  }
0x1b: {  	s9 =	sadd.s32 $0xFFFFFEF7, lr;
	s5 =	simm.s32 $0xFFFFFFFF;
	p2 =	slt.u32 s8, $0xFFFFF086  }
0x1c: {  	p1 =	slt.u32 s9, $0xF7A;
	s5 =	simm.s32 @!p2 $0x0  }
0x1d: {  	s5 =	simm.s32 @p1 $0x1;
	p0 =	seq.s32 s7, s2  }
0x1e: {  	s7 =	smul.u32 @!p0 $0xF7A, s2;
	p2 =	seq.s32 @!p0 s5, $0x0  }
0x1f: {  	s9 =	smul.u32 $0xF7A, s1;
	s8 =	simm.s32 @!p0 $0x1BF5;
	p2 =	por !p2, p0  }
0x20: {  	[sflag:s8] =	ssyncset.s32 @!p0 $0xFFFFF086;
	s6 =	sadd.s32 @!p0 s3, s7;
	s7 =	simm.s32 @!p0 $0x108  }
0x21: {  	s3 =	sadd.s32 s3, s9;
	s6 =	sadd.s32 @!p0 $0x88, s6;
	s7 =	simm.s32 @p2 $0x1082  }
0x22: {  	[simem:s7], [sflag:s8] =	dma.local @!p0 [hbm:s6], $0xF7A  }
0x23: {  	s9 =	sor.u32 $0xD0000000, s2;
	s6 =	simm.s32 $0x108;
	_ =	swait.ge @!p0 [sflag:s8], $0x0  }
0x24: {  	s3 =	sadd.s32 $0x88, s3;
	s6 =	simm.s32 @!p1 $0x1082;
	[sflag:s4] =	ssyncset.s32 $0xFFFFF086  }
0x25: {  	[simem:s6], [sflag:s4] =	dma.local [hbm:s3], $0xF7A  }
0x26: {  	[smem:$0x3F99] =	sst s1;
	(tag) =	ssettag s2;
	_ =	strace s9  }
0x27: {  	s1 =	sld [smem:$0x3FA9]  }
0x28: {  	s2 =	sld [smem:$0x3FAA]  }
0x29: {  	s4 =	sld [smem:$0x3FAC]  }
0x2a: {  	p0 =	seq.s32 s5, $0x0;
	s5 =	sld [smem:$0x3FAD]  }
0x2b: {  	s6 =	sld [smem:$0x3FAE]  }
0x2c: {  	s7 =	sld [smem:$0x3FAF]  }
0x2d: {  	s3 =	simm.s32 $0x108;
	s8 =	sld [smem:$0x3FB0]  }
0x2e: {  	s3 =	simm.s32 @!p0 $0x1082;
	s9 =	sld [smem:$0x3FB1]  }
0x2f: {  	lr =	sadd.s32 s0, s3;
	s0 =	sld [smem:$0x3FA8]  }
0x30: {  	s3 =	sld [smem:$0x3FAB]  }
0x31: {  	[smem:$0x3FB4] =	sst s10  }
0x32: {  	s10 =	sld [smem:$0x3FB2];
	_ =	sdelay $0x3  }
0x33: {  	p0 =	seq.s32 s10, $0x1;
	s10 =	sld [smem:$0x3FB4];
	_ =	sdelay $0x3  }
0x34: {  	[smem:$0x3FB4] =	sst s10  }
0x35: {  	s10 =	sld [smem:$0x3FB3];
	_ =	sdelay $0x3  }
0x36: {  	p1 =	seq.s32 s10, $0x1;
	s10 =	sld [smem:$0x3FB4];
	_ =	sdelay $0x3  }
0x37: {  	[smem:$0x3FB4] =	sst s10  }
0x38: {  	s10 =	sld [smem:$0x3FB5]  }
0x39: {  	_ = 	snop;
	(pc) =	sbr.ind lr, $3  }
0x3a: {  	_ = 	snop  }
0x3b: {  	_ = 	snop  }
0x3c: {  	p2 =	seq.s32 s10, $0x1;
	s10 =	sld [smem:$0x3FB4]  }
0x3d: {  	_ =	shalt  }
0x3e: {  	_ =	shalt  }
0x3f: {  	_ =	shalt  }
0x40: {  	_ =	shalt  }
0x41: {  	_ =	shalt  }
0x42: {  	_ =	shalt  }
0x43: {  	_ =	shalt  }
0x44: {  	_ =	shalt  }
0x45: {  	_ =	shalt  }
0x46: {  	_ =	shalt  }
0x47: {  	_ =	shalt  }
0x48: {  	_ =	shalt  }
0x49: {  	_ =	shalt  }
0x4a: {  	_ =	shalt  }
0x4b: {  	_ =	shalt  }
0x4c: {  	_ =	shalt  }
0x4d: {  	_ =	shalt  }
0x4e: {  	_ =	shalt  }
0x4f: {  	_ =	shalt  }
0x50: {  	_ =	shalt  }
0x51: {  	_ =	shalt  }
0x52: {  	_ =	shalt  }
0x53: {  	_ =	shalt  }
0x54: {  	_ =	shalt  }
0x55: {  	_ =	shalt  }
0x56: {  	_ =	shalt  }
0x57: {  	_ =	shalt  }
0x58: {  	_ =	shalt  }
0x59: {  	_ =	shalt  }
0x5a: {  	_ =	shalt  }
0x5b: {  	_ =	shalt  }
0x5c: {  	_ =	shalt  }
0x5d: {  	_ =	shalt  }
0x5e: {  	_ =	shalt  }
0x5f: {  	_ =	shalt  }
0x60: {  	_ =	shalt  }
0x61: {  	_ =	shalt  }
0x62: {  	_ =	shalt  }
0x63: {  	_ =	shalt  }
0x64: {  	_ =	shalt  }
0x65: {  	_ =	shalt  }
0x66: {  	_ =	shalt  }
0x67: {  	_ =	shalt  }
0x68: {  	_ =	shalt  }
0x69: {  	_ =	shalt  }
0x6a: {  	_ =	shalt  }
0x6b: {  	_ =	shalt  }
0x6c: {  	_ =	shalt  }
0x6d: {  	_ =	shalt  }
0x6e: {  	_ =	shalt  }
0x6f: {  	_ =	shalt  }
0x70: {  	_ =	shalt  }
0x71: {  	_ =	shalt  }
0x72: {  	_ =	shalt  }
0x73: {  	_ =	shalt  }
0x74: {  	_ =	shalt  }
0x75: {  	_ =	shalt  }
0x76: {  	_ =	shalt  }
0x77: {  	_ =	shalt  }
0x78: {  	_ =	shalt  }
0x79: {  	_ =	shalt  }
0x7a: {  	_ =	shalt  }
0x7b: {  	_ =	shalt  }
0x7c: {  	_ =	shalt  }
0x7d: {  	_ =	shalt  }
0x7e: {  	_ =	shalt  }
0x7f: {  	_ =	shalt  }
0x80: {  	_ =	shalt  }
0x81: {  	_ =	shalt  }
0x82: {  	_ =	shalt  }
0x83: {  	_ =	shalt  }
0x84: {  	_ =	shalt  }
0x85: {  	_ =	shalt  }
0x86: {  	_ =	shalt  }
0x87: {  	_ =	shalt  }
.Lfunc_end0:
.L_simem_size_0:
called_computation_lowered:
.L_overlay_start_0:
0x88: {  	s2 =	sld [smem:$0x3FD9]  }
0x89: {  	s3 =	sld [smem:$0x3FFE];
	_ =	sdelay $0x1  }
0x8a: {  	s1 =	srdreg.scid  }
0x8b: {  	s0 =	sand.u32 $0x1, s1  }
0x8c: {  	s14 =	sshll.u32 s0, $0xA;
	s2 =	sadd.s32 s3, s2  }
0x8d: {  	s2 =	sadd.s32 s2, s14  }
0x8e: {  	[smem:$0x3FC0] =	sst s2  }
0x8f: {  	_ = 	snop  }
0x90: {  	s2 =	sld [smem:$0x3FD0];
	_ =	sdelay $0x2  }
0x91: {  	s15 =	simm.s32 $0xA;
	s4 =	simm.s32 $0x10  }
0x92: {  	[smem:s4], [sflag:s15] =	dma.local [hbm:s2], $0x1  }
0x93: {  	_ =	swait.eq [sflag:s15], $0x1  }
0x94: {  	[sflag:s15] =	ssyncset.done $0x0  }
0x95: {  	s16 =	sld [smem:$0x10];
	[sflag:s15] =	ssyncadd.s32 $0xFFFFFFFF  }
0x96: {  	s17 =	sld [smem:$0x11];
	(tm) =	ssettm $0x1  }
0x97: {  	s18 =	sld [smem:$0x3FFB];
	_ =	sdelay $0x3  }
0x98: {  	_ =	strace s18  }
0x99: {  	s4 =	sld [smem:$0x3FFC];
	_ =	sdelay $0x3  }
0x9a: {  	_ =	strace s4  }
0x9b: {  	s4 =	sld [smem:$0x3FFD];
	_ =	sdelay $0x3  }
0x9c: {  	_ =	strace s4  }
0x9d: {  	_ =	strace $0x8FFFFFFF  }
0x9e: {  	s19 =	sld [smem:$0x3FDB];
	_ =	sdelay $0x1  }
0x9f: {  	s5 =	simm.s32 $_scs_section_size  }
0xa0: {  	s6 =	simm.s32 $_size__tile_overlayer_lowered;
	s7 =	simm.s32 $_tile_overlayer_lowered  }
0xa1: {  	s22 =	simm.s32 $0x1BFF;
	s21 =	sshll.u32 s7, $0x1;
	s4 =	sadd.s32 s5, s19  }
0xa2: {  	s8 =	simm.s32 $0x0;
	s20 =	sshll.u32 s6, $0x1;
	s6 =	sadd.s32 s21, s4  }
0xa3: {  	[timem:s8], [sflag:s22] =	dma.local [hbm:s6], s20  }
0xa4: {  	_ =	swait.ge [sflag:s22], s20  }
0xa5: {  	s5 =	ssub.s32 $0x0, s20;
	[sflag:s22] =	ssyncset.done $0x0  }
0xa6: {  	[sflag:s22] =	ssyncadd.s32 s5;
	_ =	sdelay $0x1  }
0xa7: {  	s23 =	simm.s32 $0x1B8B  }
0xa8: {  	_ =	swait.ge [sflag:s23], $0x1  }
0xa9: {  	[sflag:s23] =	ssyncset.done $0x0  }
0xaa: {  	s25 =	simm.s32 $0x1B8E;
	s24 =	sld [smem:$0x3FFE];
	[sflag:s23] =	ssyncadd.s32 $0xFFFFFFFF  }
0xab: {  	s26 =	simm.s32 $execute0_lowered;
	[smem:$0x3FD2] =	sst s25  }
0xac: {  	s6 =	sshll.u32 s26, $0x1;
	_ =	strace $0x80000046;
	[dreg:$0x1] =	wrdreg $0xFFFFFFFF  }
0xad: {  	s28 =	simm.s32 $_size_execute0_lowered;
	s4 =	sadd.s32 s4, s6;
	[dreg:$0x0] =	wrdreg $0x0  }
0xae: {  	s6 =	sshll.u32 s28, $0x1;
	[dreg:$0x2] =	wrdreg s4  }
0xaf: {  	[dreg:$0x3] =	wrdreg s6  }
0xb0: {  	[dreg:$0x4] =	wrdreg $0xC0  }
0xb1: {  	_ =	task [dreg:s8], $0x5FFFF  }
0xb2: {  	[dreg:$0x1] =	wrdreg $0xFFFFFFFF  }
0xb3: {  	[dreg:$0x0] =	wrdreg $0x60  }
0xb4: {  	[dreg:$0x2] =	wrdreg s24  }
0xb5: {  	[dreg:$0x3] =	wrdreg s16  }
0xb6: {  	[dreg:$0x4] =	wrdreg s17  }
0xb7: {  	[dreg:$0x5] =	wrdreg $0xDD000  }
0xb8: {  	[dreg:$0x6] =	wrdreg $0x9  }
0xb9: {  	_ =	task.clear_ibuf [dreg:s8], $0x7FFFF;
	_ =	strace $0x90000046  }
0xba: {  	s29 =	simm.s32 $0x9;
	_ =	strace $0x80000048  }
0xbb: {  	_ =	swait.ge [sflag:s29], $0x1  }
0xbc: {  	[sflag:s29] =	ssyncadd.s32 $0xFFFFFFFF  }
0xbd: {  	_ =	strace $0x90000048  }
0xbe: {  	_ =	sfence  }
0xbf: {  	s30 =	sld [smem:$0x0];
	_ =	sdelay $0x2  }
0xc0: {  	s31 =	sshll.u32 s1, $0xD;
	s1 =	sshrl.u32 s1, $0x2  }
0xc1: {  	s3 =	sand.u32 $0x4000, s31;
	s1 =	sadd.s32 s1, s30  }
0xc2: {  	s0 =	sor.u32 s3, s0;
	s1 =	sshll.u32 s1, $0x11  }
0xc3: {  	s0 =	sor.u32 s1, s0  }
0xc4: {  	s0 =	sadd.s32 $0x8F2B, s0  }
0xc5: {  	[sflag:s0] =	ssyncadd.remote.s32 $0x1  }
0xc6: {  	_ =	sfence.sel $0xFFFF  }
0xc7: {  	[dreg:$0x0] =	wrdreg $0xFFFFFFFF;
	(pc) =	sbr.abs _section_cstart, $3  }
0xc8: {  	[dreg:$0x1] =	wrdreg $0xFFFFFFFF  }
0xc9: {  	_ =	task.clear_ibuf [dreg:s8], $0x2FFFF;
	_ =	strace $0x9FFFFFFF  }
0xca: {  	(tm) =	ssettm $0x7FFFFFFF  }
0xcb: {  	_ =	shalt  }
tec
execute0_lowered:
.L_overlay_start_1:
0x0: {  	(tag) =	ssettag $0x1  }
0x1: {  	s5 =	rddreg [dreg:$0x0]  }
0x2: {  	s11 =	rddreg [dreg:$0x1]  }
0x3: {  	s2 =	rddreg [dreg:$0x2];
	s1 =	srdreg.scid  }
0x4: {  	s0 =	stileid.u32;
	s3 =	rddreg [dreg:$0x3]  }
0x5: {  	s4 =	simm.s32 $0x0;
	s15 =	simm.s32 $0x4E80;
	s16 =	simm.s32 $0x80  }
0x6: {  	s17 =	simm.s32 $0x9D00;
	s18 =	simm.s32 $0xBD00;
	s19 =	simm.s32 $0x1  }
0x7: {  	s20 =	simm.s32 $0x2;
	s21 =	simm.s32 $0x3;
	s22 =	simm.s32 $0x4  }
0x8: {  	s23 =	simm.s32 $0x4E00;
	s24 =	simm.s32 $0x9C80;
	s7 =	smul.u32 $0x9E00, s0  }
0x9: {  	s6 =	sand.u32 $0x1, s1;
	s1 =	rddreg [dreg:$0x4];
	s13 =	smul.u32 $0x9D00, s0  }
0xa: {  	s25 =	simm.s32 $0x0;
	[smem:$0x7FF] =	sst s4;
	s8 =	smul.u32 $0x9E000, s6  }
0xb: {  	s12 =	sadd.s32 $0x28A00, s5;
	s9 =	smul.u32 $0x13880, s6;
	s6 =	ssub.s32 $0x2, s6  }
0xc: {  	s31 =	sshll.u32 s0, $0x6;
	s30 =	sshrl.u32 s6, $0x1;
	s8 =	sadd.s32 s7, s8  }
0xd: {  	s14 =	sadd.s32 s7, s3;
	s13 =	sshrl.u32 s13, $0x3;
	s8 =	sshrl.u32 s8, $0x3  }
0xe: {  	s9 =	sadd.s32 s9, s5;
	s10 =	ssub.s32 s6, s30;
	s8 =	sadd.s32 s8, s5  }
0xf: {  	s6 =	sadd.s32 $0x1800, s9;
	s9 =	sadd.s32 s11, s13;
	s7 =	sadd.s32 $0x3C400, s8  }
0x10: {  	s8 =	smax.u32 s10, $0x1;
	s10 =	sadd.s32 s12, s13;
	s13 =	sadd.s32 $0x9D0, s13  }
0x11: {  	_ =	strace $0x80000047;
	s5 =	sor.u32 $0x1C05, s31;
	s11 =	sadd.s32 s11, s13  }
0x12: {  	s12 =	sadd.s32 s12, s13;
	s13 =	sshrl.u32 s14, $0x3;
	s14 =	simm.s32 $0x5  }
.LBB2_1:
0x13: {  	[spmem:s13], [sflag:s5] =	dma.local [hbm:s2], $0x13C0  }
0x14: {  	_ =	swait.ge [sflag:s14], $0x13C0  }
0x15: {  	[sflag:s14] =	ssyncset.done $0x0  }
0x16: {  	[sflag:s14] =	ssyncadd.s32 $0xFFFFEC40  }
0x17: {  	[bflag:$0x0] =	sbarrier.arrive $0xFFFF  }
0x18: {  	[tilespmem:s4], [sflag:$0x5] =	stream.linear.gather [hbm4b:s9+s4], $0x4E80, $0x38;
	[tilespmem:$0x17B00] =	vst v63  }
0x19: {  	_ =	swait.ge [sflag:s14], $0x4E80  }
0x1a: {  	[sflag:s14] =	ssyncset.done $0x0  }
0x1b: {  	[sflag:s14] =	ssyncadd.s32 $0xFFFFB180  }
0x1c: {  	[tilespmem:s15], [sflag:$0x5] =	stream.linear.gather [hbm4b:s10+s4], $0x4E80, $0x38;
	[tilespmem:$0x17B00] =	vst v63  }
0x1d: {  	_ =	swait.ge [sflag:s14], $0x4E80  }
0x1e: {  	[sflag:s14] =	ssyncset.done $0x0  }
0x1f: {  	s26 =	simm.s32 $0x0;
	[sflag:s14] =	ssyncadd.s32 $0xFFFFB180  }
0x20: {  	[tilespmem:s17], [sflag:$0x1] =	stream.indirect.gather [hbm4b:s6+s16], $0x40, s26, s16, $0xb8;
	[tilespmem:$0x17B00] =	vst v63  }
0x21: {  	s29 =	simm.s32 $0x80  }
0x22: {  	[tilespmem:s18], [sflag:$0x2] =	stream.indirect.gather [hbm4b:s6+s16], $0x40, s29, s16, $0xb8;
	[tilespmem:$0x17B00] =	vst v63  }
0x23: {  	_ =	swait.ge [sflag:s19], $0x2000  }
0x24: {  	[sflag:s19] =	ssyncset.done $0x0  }
0x25: {  	s30 =	simm.s32 $0x4E80;
	[sflag:s19] =	ssyncadd.s32 $0xFFFFE000  }
0x26: {  	[spmem:s3] =	stream.indirect.scatter.add.f32 [tilespmem:s17], [sflag:$0x3], $0x40, s30, s16, $0xb8;
	[tilespmem:$0x17B00] =	vst v63  }
0x27: {  	_ =	swait.ge [sflag:s20], $0x2000  }
0x28: {  	[sflag:s20] =	ssyncset.done $0x0  }
0x29: {  	s31 =	simm.s32 $0x4F00;
	[sflag:s20] =	ssyncadd.s32 $0xFFFFE000  }
0x2a: {  	[spmem:s3] =	stream.indirect.scatter.add.f32 [tilespmem:s18], [sflag:$0x4], $0x40, s31, s16, $0xb8;
	[tilespmem:$0x17B00] =	vst v63  }
0x2b: {  	_ =	swait.ge [sflag:s21], $0x2000  }
0x2c: {  	[sflag:s21] =	ssyncset.done $0x0  }
0x2d: {  	[sflag:s21] =	ssyncadd.s32 $0xFFFFE000  }
0x2e: {  	_ =	swait.ge [sflag:s22], $0x2000  }
0x2f: {  	s28 =	simm.s32 $0x800;
	s26 =	simm.s32 $0x400;
	[sflag:s22] =	ssyncset.done $0x0  }
.LBB2_2:
0x30: {  	s29 =	sshra.s32 s26, $0x2  }
0x31: {  	[sflag:s22] =	ssyncadd.s32 $0xFFFFE000;
	s26 =	smov.u32 s28;
	s30 =	sadd.s32 $0x400, s28  }
0x32: {  	[tilespmem:s17], [sflag:$0x1] =	stream.indirect.gather [hbm4b:s6+s16], $0x40, s29, s16, $0xb8;
	[tilespmem:$0x17B00] =	vst v63  }
0x33: {  	p0 =	sne.s32 s28, $0x13400;
	s28 =	sadd.s32 $0x80, s29  }
0x34: {  	[tilespmem:s18], [sflag:$0x2] =	stream.indirect.gather [hbm4b:s6+s16], $0x40, s28, s16, $0xb8;
	[tilespmem:$0x17B00] =	vst v63  }
0x35: {  	_ =	swait.ge [sflag:s19], $0x2000  }
0x36: {  	[sflag:s19] =	ssyncset.done $0x0  }
0x37: {  	s28 =	sadd.s32 $0x4E80, s29;
	[sflag:s19] =	ssyncadd.s32 $0xFFFFE000  }
0x38: {  	[spmem:s3] =	stream.indirect.scatter.add.f32 [tilespmem:s17], [sflag:$0x3], $0x40, s28, s16, $0xb8;
	[tilespmem:$0x17B00] =	vst v63  }
0x39: {  	_ =	swait.ge [sflag:s20], $0x2000  }
0x3a: {  	[sflag:s20] =	ssyncset.done $0x0  }
0x3b: {  	s28 =	sadd.s32 $0x4F00, s29;
	[sflag:s20] =	ssyncadd.s32 $0xFFFFE000  }
0x3c: {  	[spmem:s3] =	stream.indirect.scatter.add.f32 [tilespmem:s18], [sflag:$0x4], $0x40, s28, s16, $0xb8;
	[tilespmem:$0x17B00] =	vst v63  }
.Ltmp0:
0x3d: {  	_ =	swait.ge [sflag:s21], $0x2000;
	(pc) =	sbr.rel @p0 .LBB2_2-.Ltmp0, $4  }
0x3e: {  	[sflag:s21] =	ssyncset.done $0x0  }
0x3f: {  	[sflag:s21] =	ssyncadd.s32 $0xFFFFE000  }
0x40: {  	_ =	swait.ge [sflag:s22], $0x2000  }
0x41: {  	s28 =	smov.u32 s30;
	[sflag:s22] =	ssyncset.done $0x0  }
0x42: {  	s26 =	sshra.s32 s26, $0x2;
	[sflag:s22] =	ssyncadd.s32 $0xFFFFE000  }
0x43: {  	[tilespmem:s17], [sflag:$0x1] =	stream.indirect.gather [hbm4b:s6+s16], $0x40, s26, s16, $0xb8;
	[tilespmem:$0x17B00] =	vst v63  }
0x44: {  	s28 =	sadd.s32 $0x80, s26  }
0x45: {  	[tilespmem:s18], [sflag:$0x2] =	stream.indirect.gather [hbm4b:s6+s16], $0x40, s28, s16, $0xb8;
	[tilespmem:$0x17B00] =	vst v63  }
0x46: {  	_ =	swait.ge [sflag:s19], $0x2000  }
0x47: {  	[sflag:s19] =	ssyncset.done $0x0  }
0x48: {  	s28 =	sadd.s32 $0x4E80, s26;
	[sflag:s19] =	ssyncadd.s32 $0xFFFFE000  }
0x49: {  	[spmem:s3] =	stream.indirect.scatter.add.f32 [tilespmem:s17], [sflag:$0x3], $0x40, s28, s16, $0xb8;
	[tilespmem:$0x17B00] =	vst v63  }
0x4a: {  	_ =	swait.ge [sflag:s20], $0x2000  }
0x4b: {  	[sflag:s20] =	ssyncset.done $0x0  }
0x4c: {  	s26 =	sadd.s32 $0x4F00, s26;
	[sflag:s20] =	ssyncadd.s32 $0xFFFFE000  }
0x4d: {  	[spmem:s3] =	stream.indirect.scatter.add.f32 [tilespmem:s18], [sflag:$0x4], $0x40, s26, s16, $0xb8;
	[tilespmem:$0x17B00] =	vst v63  }
0x4e: {  	_ =	swait.ge [sflag:s21], $0x2000  }
0x4f: {  	[sflag:s21] =	ssyncset.done $0x0  }
0x50: {  	[sflag:s21] =	ssyncadd.s32 $0xFFFFE000  }
0x51: {  	_ =	swait.ge [sflag:s22], $0x2000  }
0x52: {  	[sflag:s22] =	ssyncset.done $0x0  }
0x53: {  	[sflag:s22] =	ssyncadd.s32 $0xFFFFE000  }
0x54: {  	[tilespmem:s17], [sflag:$0x1] =	stream.indirect.gather [hbm4b:s6+s16], $0x40, s23, s16, $0xb8;
	[tilespmem:$0x17B00] =	vst v63  }
0x55: {  	_ =	swait.ge [sflag:s19], $0x2000  }
0x56: {  	[sflag:s19] =	ssyncset.done $0x0  }
0x57: {  	[sflag:s19] =	ssyncadd.s32 $0xFFFFE000  }
0x58: {  	[spmem:s3] =	stream.indirect.scatter.add.f32 [tilespmem:s17], [sflag:$0x3], $0x40, s24, s16, $0xb8;
	[tilespmem:$0x17B00] =	vst v63  }
0x59: {  	_ =	swait.ge [sflag:s21], $0x2000  }
0x5a: {  	[sflag:s21] =	ssyncset.done $0x0  }
0x5b: {  	s30 =	simm.s32 $0x0;
	[sflag:s21] =	ssyncadd.s32 $0xFFFFE000  }
0x5c: {  	[tilespmem:s30], [sflag:$0x5] =	stream.linear.gather [hbm4b:s11+s30], $0x4E80, $0x38;
	[tilespmem:$0x17B00] =	vst v63  }
0x5d: {  	_ =	swait.ge [sflag:s14], $0x4E80  }
0x5e: {  	[sflag:s14] =	ssyncset.done $0x0  }
0x5f: {  	[sflag:s14] =	ssyncadd.s32 $0xFFFFB180  }
0x60: {  	[tilespmem:s15], [sflag:$0x5] =	stream.linear.gather [hbm4b:s12+s30], $0x4E80, $0x38;
	[tilespmem:$0x17B00] =	vst v63  }
0x61: {  	_ =	swait.ge [sflag:s14], $0x4E80  }
0x62: {  	[sflag:s14] =	ssyncset.done $0x0  }
0x63: {  	s31 =	simm.s32 $0x0;
	[sflag:s14] =	ssyncadd.s32 $0xFFFFB180  }
0x64: {  	[tilespmem:s17], [sflag:$0x1] =	stream.indirect.gather [hbm4b:s6+s16], $0x40, s31, s16, $0xb8;
	[tilespmem:$0x17B00] =	vst v63  }
0x65: {  	s29 =	simm.s32 $0x80  }
0x66: {  	[tilespmem:s18], [sflag:$0x2] =	stream.indirect.gather [hbm4b:s6+s16], $0x40, s29, s16, $0xb8;
	[tilespmem:$0x17B00] =	vst v63  }
0x67: {  	_ =	swait.ge [sflag:s19], $0x2000  }
0x68: {  	[sflag:s19] =	ssyncset.done $0x0  }
0x69: {  	s30 =	simm.s32 $0x4E80;
	[sflag:s19] =	ssyncadd.s32 $0xFFFFE000  }
0x6a: {  	[spmem:s3] =	stream.indirect.scatter.add.f32 [tilespmem:s17], [sflag:$0x3], $0x40, s30, s16, $0xb8;
	[tilespmem:$0x17B00] =	vst v63  }
0x6b: {  	_ =	swait.ge [sflag:s20], $0x2000  }
0x6c: {  	[sflag:s20] =	ssyncset.done $0x0  }
0x6d: {  	s31 =	simm.s32 $0x4F00;
	[sflag:s20] =	ssyncadd.s32 $0xFFFFE000  }
0x6e: {  	[spmem:s3] =	stream.indirect.scatter.add.f32 [tilespmem:s18], [sflag:$0x4], $0x40, s31, s16, $0xb8;
	[tilespmem:$0x17B00] =	vst v63  }
0x6f: {  	_ =	swait.ge [sflag:s21], $0x2000  }
0x70: {  	[sflag:s21] =	ssyncset.done $0x0  }
0x71: {  	[sflag:s21] =	ssyncadd.s32 $0xFFFFE000  }
0x72: {  	_ =	swait.ge [sflag:s22], $0x2000  }
0x73: {  	s28 =	simm.s32 $0x800;
	s26 =	simm.s32 $0x400;
	[sflag:s22] =	ssyncset.done $0x0  }
.LBB2_4:
0x74: {  	s29 =	sshra.s32 s26, $0x2  }
0x75: {  	[sflag:s22] =	ssyncadd.s32 $0xFFFFE000;
	s26 =	smov.u32 s28;
	s30 =	sadd.s32 $0x400, s28  }
0x76: {  	[tilespmem:s17], [sflag:$0x1] =	stream.indirect.gather [hbm4b:s6+s16], $0x40, s29, s16, $0xb8;
	[tilespmem:$0x17B00] =	vst v63  }
0x77: {  	p0 =	sne.s32 s28, $0x13400;
	s28 =	sadd.s32 $0x80, s29  }
0x78: {  	[tilespmem:s18], [sflag:$0x2] =	stream.indirect.gather [hbm4b:s6+s16], $0x40, s28, s16, $0xb8;
	[tilespmem:$0x17B00] =	vst v63  }
0x79: {  	_ =	swait.ge [sflag:s19], $0x2000  }
0x7a: {  	[sflag:s19] =	ssyncset.done $0x0  }
0x7b: {  	s28 =	sadd.s32 $0x4E80, s29;
	[sflag:s19] =	ssyncadd.s32 $0xFFFFE000  }
0x7c: {  	[spmem:s3] =	stream.indirect.scatter.add.f32 [tilespmem:s17], [sflag:$0x3], $0x40, s28, s16, $0xb8;
	[tilespmem:$0x17B00] =	vst v63  }
0x7d: {  	_ =	swait.ge [sflag:s20], $0x2000  }
0x7e: {  	[sflag:s20] =	ssyncset.done $0x0  }
0x7f: {  	s28 =	sadd.s32 $0x4F00, s29;
	[sflag:s20] =	ssyncadd.s32 $0xFFFFE000  }
0x80: {  	[spmem:s3] =	stream.indirect.scatter.add.f32 [tilespmem:s18], [sflag:$0x4], $0x40, s28, s16, $0xb8;
	[tilespmem:$0x17B00] =	vst v63  }
.Ltmp1:
0x81: {  	_ =	swait.ge [sflag:s21], $0x2000;
	(pc) =	sbr.rel @p0 .LBB2_4-.Ltmp1, $4  }
0x82: {  	[sflag:s21] =	ssyncset.done $0x0  }
0x83: {  	[sflag:s21] =	ssyncadd.s32 $0xFFFFE000  }
0x84: {  	_ =	swait.ge [sflag:s22], $0x2000  }
0x85: {  	s28 =	smov.u32 s30;
	[sflag:s22] =	ssyncset.done $0x0  }
0x86: {  	s26 =	sshra.s32 s26, $0x2;
	[sflag:s22] =	ssyncadd.s32 $0xFFFFE000  }
0x87: {  	[tilespmem:s17], [sflag:$0x1] =	stream.indirect.gather [hbm4b:s6+s16], $0x40, s26, s16, $0xb8;
	[tilespmem:$0x17B00] =	vst v63  }
0x88: {  	s28 =	sadd.s32 $0x80, s26  }
0x89: {  	[tilespmem:s18], [sflag:$0x2] =	stream.indirect.gather [hbm4b:s6+s16], $0x40, s28, s16, $0xb8;
	[tilespmem:$0x17B00] =	vst v63  }
0x8a: {  	_ =	swait.ge [sflag:s19], $0x2000  }
0x8b: {  	[sflag:s19] =	ssyncset.done $0x0  }
0x8c: {  	s31 =	sadd.s32 $0x4E80, s26;
	[sflag:s19] =	ssyncadd.s32 $0xFFFFE000  }
0x8d: {  	[spmem:s3] =	stream.indirect.scatter.add.f32 [tilespmem:s17], [sflag:$0x3], $0x40, s31, s16, $0xb8;
	[tilespmem:$0x17B00] =	vst v63  }
0x8e: {  	_ =	swait.ge [sflag:s20], $0x2000  }
0x8f: {  	[sflag:s20] =	ssyncset.done $0x0  }
0x90: {  	s26 =	sadd.s32 $0x4F00, s26;
	[sflag:s20] =	ssyncadd.s32 $0xFFFFE000  }
0x91: {  	[spmem:s3] =	stream.indirect.scatter.add.f32 [tilespmem:s18], [sflag:$0x4], $0x40, s26, s16, $0xb8;
	[tilespmem:$0x17B00] =	vst v63  }
0x92: {  	_ =	swait.ge [sflag:s21], $0x2000  }
0x93: {  	[sflag:s21] =	ssyncset.done $0x0  }
0x94: {  	[sflag:s21] =	ssyncadd.s32 $0xFFFFE000  }
0x95: {  	_ =	swait.ge [sflag:s22], $0x2000  }
0x96: {  	[sflag:s22] =	ssyncset.done $0x0  }
0x97: {  	[sflag:s22] =	ssyncadd.s32 $0xFFFFE000  }
0x98: {  	[tilespmem:s17], [sflag:$0x1] =	stream.indirect.gather [hbm4b:s6+s16], $0x40, s23, s16, $0xb8;
	[tilespmem:$0x17B00] =	vst v63  }
0x99: {  	_ =	swait.ge [sflag:s19], $0x2000  }
0x9a: {  	[sflag:s19] =	ssyncset.done $0x0  }
0x9b: {  	[sflag:s19] =	ssyncadd.s32 $0xFFFFE000  }
0x9c: {  	[spmem:s3] =	stream.indirect.scatter.add.f32 [tilespmem:s17], [sflag:$0x3], $0x40, s24, s16, $0xb8;
	[tilespmem:$0x17B00] =	vst v63  }
0x9d: {  	_ =	swait.ge [sflag:s21], $0x2000  }
0x9e: {  	s25 =	sadd.s32 $0x1, s25;
	[sflag:s21] =	ssyncset.done $0x0  }
0x9f: {  	p0 =	sne.s32 s25, s8;
	[sflag:s21] =	ssyncadd.s32 $0xFFFFE000  }
.Ltmp2:
0xa0: {  	[bflag:$0x0] =	sbarrier.arrive $0xFFFF;
	(pc) =	sbr.rel @p0 .LBB2_1-.Ltmp2, $4  }
0xa1: {  	[hbm:s7], [sflag:s5] =	dma.local [spmem:s13], $0x13C0  }
0xa2: {  	_ =	swait.ge [sflag:s14], $0x13C0  }
0xa3: {  	[sflag:s14] =	ssyncset.done $0x0  }
0xa4: {  	[sflag:s14] =	ssyncadd.s32 $0xFFFFEC40  }
0xa5: {  	_ =	sfence.sel $0x180000  }
0xa6: {  	[bflag:$0x0] =	sbarrier.arrive $0xFFFF  }
0xa7: {  	p0 =	sne.s32 s0, $0x0;
	_ =	strace $0x90000047  }
0xa8: {  	s0 =	sadd.s32 @!p0 $0x100000, s1;
	[bflag:$0x2] =	sbarrier.arrive $0xFFFF  }
0xa9: {  	[sflag:s0] =	ssyncadd.tile.s32 @!p0 $0x1;
	_ =	shalt  }
.Lfunc_end2:
_tile_overlayer_lowered:
.L_overlay_start_2:
0xaa: {  	(tag) =	ssettag $0x2  }
0xab: {  	s0 =	rddreg [dreg:$0x0];
	s2 =	stileid.u32  }
0xac: {  	s1 =	rddreg [dreg:$0x1];
	p0 =	sne.s32 s2, $0x0  }
0xad: {  	s3 =	rddreg [dreg:$0x2];
	[bflag:$0x3] =	sbarrier.arrive $0xFFFF;
	s2 =	simm.s32 @!p0 $0x1C05  }
0xae: {  	[timem:s3], [sflag:s2] =	dma.local @!p0 [hbm:s0], s1  }
0xaf: {  	s0 =	simm.s32 @!p0 $0x5  }
0xb0: {  	_ =	swait.ge @!p0 [sflag:s0], s1  }
0xb1: {  	s1 =	ssub.s32 @!p0 $0x0, s1;
	[sflag:s0] =	ssyncset.done @!p0 $0x0  }
0xb2: {  	[sflag:s0] =	ssyncadd.s32 @!p0 s1  }
0xb3: {  	[bflag:$0x3] =	sbarrier.arrive $0xFFFF  }
0xb4: {  	_ =	shalt  }

</sc_bundles>
